<compile_context>
chip_gen: v7x
topology: tpu7x:2x2x1
jax: 0.10.2.dev20260603
libtpu: 0.0.44.dev20260713+nightly
codegen_flags: <defaults>
</compile_context>

<pallas_src>
import functools

import jax
import jax.numpy as jnp
from jax import lax
from jax.experimental import pallas as pl
from jax.experimental.pallas import tpu as pltpu
from jax.experimental.pallas import tpu_sc as plsc

N = 16 * 512 * 512
K = N // 4
ROWS, COLS = 8192, 512
GRID_R = 8
BLK_R = ROWS // GRID_R
NW = 32
TROWS = ROWS // NW
SUBR = 32
NSUB = TROWS // SUBR
SUB_V = SUBR * COLS // 16
BINS = 4096
HOUT = BINS // 128
SH1 = 19
SH2 = 7
LANES = 16


def _bce_body(x_ref, t_ref, o_ref):
    x = x_ref[...]
    t = t_ref[...]
    loss = jnp.maximum(x, 0.0) - x * t + jnp.log1p(jnp.exp(-jnp.abs(x)))
    o_ref[...] = lax.bitcast_convert_type(loss, jnp.int32)


_sc_mesh = plsc.VectorSubcoreMesh(core_axis_name="c", subcore_axis_name="s")


def _hist_tile(loss_hbm, bufs, hist, obuf, sems, base_row, scatter):
    lanes = lax.iota(jnp.int32, LANES)
    zeros16 = jnp.zeros((LANES,), jnp.int32)

    @functools.partial(plsc.parallel_loop, 0, BINS, unroll=8)
    def _(i):
        hist[pl.ds(i * LANES, LANES)] = zeros16

    cps = [None, None]
    cps[0] = pltpu.async_copy(
        loss_hbm.at[pl.ds(base_row, SUBR), :], bufs.at[0], sems.at[0])
    for s in range(NSUB):
        cur = s % 2
        if s + 1 < NSUB:
            nxt = (s + 1) % 2
            cps[nxt] = pltpu.async_copy(
                loss_hbm.at[pl.ds(base_row + (s + 1) * SUBR, SUBR), :],
                bufs.at[nxt], sems.at[nxt])
        cps[cur].wait()
        buf = bufs.at[cur]

        @functools.partial(plsc.parallel_loop, 0, SUB_V, unroll=16)
        def _(i):
            r = i >> 5
            c = i & 31
            scatter(buf[r, pl.ds(c * LANES, LANES)])

    @functools.partial(plsc.parallel_loop, 0, HOUT, unroll=1)
    def _(r):
        for j in range(8):
            rows = (r * 8 + j) * LANES + lanes
            acc = zeros16
            for l in range(LANES):
                acc = acc + plsc.load_gather(hist, [rows * LANES + l])
            obuf[r, pl.ds(j * LANES, LANES)] = acc


@functools.partial(
    pl.kernel,
    out_type=jax.ShapeDtypeStruct((HOUT * NW, 128), jnp.int32),
    mesh=_sc_mesh,
    compiler_params=pltpu.CompilerParams(needs_layout_passes=False),
    scratch_types=[
        pltpu.VMEM((2, SUBR, COLS), jnp.int32),
        pltpu.VMEM((BINS * LANES,), jnp.int32),
        pltpu.VMEM((HOUT, 128), jnp.int32),
        pltpu.SemaphoreType.DMA((2,)),
    ],
)
def _hist1_sc(loss_hbm, out_hbm, bufs, hist, obuf, sems):
    wid = lax.axis_index("s") * 2 + lax.axis_index("c")
    lanes = lax.iota(jnp.int32, LANES)
    ones16 = jnp.ones((LANES,), jnp.int32)

    def scatter(u):
        d = u >> SH1
        plsc.addupdate_scatter(hist, [d * LANES + lanes], ones16)

    _hist_tile(loss_hbm, bufs, hist, obuf, sems, wid * TROWS, scatter)
    pltpu.sync_copy(obuf, out_hbm.at[pl.ds(wid * HOUT, HOUT), :])


@functools.partial(
    pl.kernel,
    out_type=jax.ShapeDtypeStruct((HOUT * NW, 128), jnp.int32),
    mesh=_sc_mesh,
    compiler_params=pltpu.CompilerParams(needs_layout_passes=False),
    scratch_types=[
        pltpu.VMEM((2, SUBR, COLS), jnp.int32),
        pltpu.VMEM((BINS * LANES,), jnp.int32),
        pltpu.VMEM((HOUT, 128), jnp.int32),
        pltpu.VMEM((LANES,), jnp.int32),
        pltpu.SemaphoreType.DMA((2,)),
    ],
)
def _hist2_sc(loss_hbm, c1_hbm, out_hbm, bufs, hist, obuf, b1buf, sems):
    wid = lax.axis_index("s") * 2 + lax.axis_index("c")
    lanes = lax.iota(jnp.int32, LANES)
    ones16 = jnp.ones((LANES,), jnp.int32)

    pltpu.sync_copy(c1_hbm.at[0, pl.ds(0, LANES)], b1buf)
    b1v = plsc.load_gather(b1buf, [jnp.zeros((LANES,), jnp.int32)])

    def scatter(u):
        d1 = u >> SH1
        d2 = (u >> SH2) & 0xFFF
        plsc.addupdate_scatter(
            hist, [d2 * LANES + lanes], ones16, mask=d1 == b1v)

    _hist_tile(loss_hbm, bufs, hist, obuf, sems, wid * TROWS, scatter)
    pltpu.sync_copy(obuf, out_hbm.at[pl.ds(wid * HOUT, HOUT), :])


def _suffix_counts(h_ref):
    hw = h_ref[...].astype(jnp.float32)
    h = jnp.zeros((32, 128), jnp.float32)
    for w in range(NW):
        h = h + hw[w * 32:(w + 1) * 32, :]
    cs = lax.broadcasted_iota(jnp.int32, (128, 128), 0)
    ct = lax.broadcasted_iota(jnp.int32, (128, 128), 1)
    m_in = (cs >= ct).astype(jnp.float32)
    inrow = jnp.dot(h, m_in, preferred_element_type=jnp.float32)
    rs = lax.broadcasted_iota(jnp.int32, (32, 32), 0)
    rt = lax.broadcasted_iota(jnp.int32, (32, 32), 1)
    m_tail = (rt > rs).astype(jnp.float32)
    tail = jnp.sum(jnp.dot(m_tail, h, preferred_element_type=jnp.float32),
                   axis=1, keepdims=True)
    idx = (lax.broadcasted_iota(jnp.int32, (32, 128), 0) * 128
           + lax.broadcasted_iota(jnp.int32, (32, 128), 1))
    return inrow + tail, idx, h


def _pick1_body(h_ref, o_ref):
    C, idx, h = _suffix_counts(h_ref)
    b1 = jnp.max(jnp.where(C >= float(K), idx, -1))
    c_above = jnp.sum(jnp.where(idx > b1, h, 0.0))
    r1 = (float(K) - c_above).astype(jnp.int32)
    orow = lax.broadcasted_iota(jnp.int32, (8, 128), 0)
    ocol = lax.broadcasted_iota(jnp.int32, (8, 128), 1)
    flat = orow * 128 + ocol
    o_ref[...] = jnp.where(flat == 0, b1, jnp.where(flat == 1, r1, 0))


def _final_body(h2_ref, c1_ref, x_ref, o_ref, edge_ref):
    i = pl.program_id(0)

    @pl.when(i == 0)
    def _():
        r1 = c1_ref[0, 1].astype(jnp.float32)
        b1 = c1_ref[0, 0]
        C, idx, h2m = _suffix_counts(h2_ref)
        b2 = jnp.max(jnp.where(C >= r1, idx, -1))
        edge_ref[0] = b1 * (1 << SH1) + b2 * (1 << SH2)
        c_up = (float(K) - r1) + jnp.sum(jnp.where(idx > b2, h2m, 0.0))
        edge_ref[1] = c_up.astype(jnp.int32)

    edge = edge_ref[0]
    u = x_ref[...]
    x = lax.bitcast_convert_type(u, jnp.float32)
    keep = u >= edge + (1 << SH2)
    s_part = jnp.sum(jnp.where(keep, x, 0.0))
    lane = lax.broadcasted_iota(jnp.int32, (1, 128), 1)
    part = jnp.where(lane == 0, s_part, 0.0)

    @pl.when(i == 0)
    def _():
        o_ref[...] = jnp.zeros_like(o_ref)

    o_ref[...] += part

    @pl.when(i == GRID_R - 1)
    def _():
        r = o_ref[...]
        s_tot = r[0, 0]
        c_tot = edge_ref[1].astype(jnp.float32)
        edge_f = lax.bitcast_convert_type(edge, jnp.float32)
        res = (s_tot + (float(K) - c_tot) * edge_f) / float(K)
        o_ref[...] = jnp.where(lane == 2, res, r)


def kernel(logits, targets):
    x2d = logits.reshape(ROWS, COLS)
    t2d = targets.reshape(ROWS, COLS)

    bits = pl.pallas_call(
        _bce_body,
        grid=(GRID_R,),
        in_specs=[pl.BlockSpec((BLK_R, COLS), lambda i: (i, 0))] * 2,
        out_specs=pl.BlockSpec((BLK_R, COLS), lambda i: (i, 0)),
        out_shape=jax.ShapeDtypeStruct((ROWS, COLS), jnp.int32),
    )(x2d, t2d)

    h1 = _hist1_sc(bits)
    c1 = pl.pallas_call(
        _pick1_body,
        out_shape=jax.ShapeDtypeStruct((8, 128), jnp.int32),
    )(h1)

    h2 = _hist2_sc(bits, c1)

    outv = pl.pallas_call(
        _final_body,
        grid=(GRID_R,),
        in_specs=[
            pl.BlockSpec((HOUT * NW, 128), lambda i: (0, 0)),
            pl.BlockSpec((8, 128), lambda i: (0, 0)),
            pl.BlockSpec((BLK_R, COLS), lambda i: (i, 0)),
        ],
        out_specs=pl.BlockSpec((1, 128), lambda i: (0, 0)),
        out_shape=jax.ShapeDtypeStruct((1, 128), jnp.float32),
        scratch_shapes=[pltpu.SMEM((2,), jnp.int32)],
    )(h2, c1, bits)

    return outv[0, 2]

# --- scband reference (transcript-rebuilt; emitter-appended) ---
"""Pipeline reference for scband-ohembcewith-logits-loss-68513318306136 (READ-ONLY COPY).

The authoritative reference and input builder live on the scoring server;
editing this copy changes nothing except your own understanding.
"""

import jax, jax.numpy as jnp
import numpy as np

OHEM_RATIO = 0.25
MIN_KEPT = 10000


def setup_inputs(seed: int = 0) -> dict:
    key = jax.random.key(seed)
    k1, k2 = jax.random.split(key)
    logits = jax.random.normal(k1, (16, 1, 512, 512), dtype=jnp.float32)
    targets = jax.random.uniform(k2, (16, 1, 512, 512), dtype=jnp.float32)
    return {"logits": logits, "targets": targets}


def _bce_with_logits(logits, targets):
    # numerically stable BCE-with-logits, matching F.binary_cross_entropy_with_logits:
    # max(x, 0) - x * t + log(1 + exp(-|x|))
    return jnp.maximum(logits, 0.0) - logits * targets + jnp.log1p(jnp.exp(-jnp.abs(logits)))


def reference(logits, targets):
    loss_per_pixel = _bce_with_logits(logits, targets)
    loss_flat = loss_per_pixel.reshape(-1)
    num_pixels = loss_flat.shape[0]
    num_kept = max(int(num_pixels * OHEM_RATIO), MIN_KEPT)
    num_kept = min(num_kept, num_pixels)
    # torch.sort(descending=True)[:num_kept] == top_k of the per-pixel losses
    kept_loss, _ = jax.lax.top_k(loss_flat, num_kept)
    return jnp.mean(kept_loss)

if __name__ == "__main__":
    import jax
    _d = setup_inputs()
    print(jax.jit(kernel)(*tuple(_d.values())))

</pallas_src>

<mosaic_0001>
#map = affine_map<(d0, d1) -> (0, 0)>
module attributes {stable_mosaic.version = 14 : i64} {
  func.func @_hist1_sc(%arg0: i32, %arg1: i32, %arg2: memref<8192x512xi32, #tpu.memory_space<hbm>>, %arg3: memref<1024x128xi32, #tpu.memory_space<hbm>>, %arg4: memref<2x32x512xi32, #tpu.memory_space<vmem>>, %arg5: memref<65536xi32, #tpu.memory_space<vmem>>, %arg6: memref<32x128xi32, #tpu.memory_space<vmem>>, %arg7: memref<2x!tpu.dma_semaphore, #tpu.memory_space<semaphore_mem>>) attributes {dimension_semantics = [#tpu.dimension_semantics<core_parallel>, #tpu.dimension_semantics<subcore_parallel>], iteration_bounds = array<i64: 2, 16>, scalar_prefetch = 0 : i64, scratch_operands = 4 : i64, tpu.core_type = #tpu.core_type<sc_vector_subcore>, window_params = [{transform_indices = #map}, {transform_indices = #map}]} {
    %mul3A = arith.constant 2 : i32
    %mul3A_0 = arith.muli %arg1, %mul3A : i32
    %add3A = arith.addi %mul3A_0, %arg0 : i32
    %iota3A = tpu.iota {dimensions = array<i32: 0>} : vector<16xi32>
    %broadcast_in_dim3A = arith.constant 1 : i32
    %broadcast_in_dim3A_1 = vector.broadcast %broadcast_in_dim3A : i32 to vector<16xi32>
    %mul3A_2 = arith.constant 256 : i32
    %mul3A_3 = arith.muli %add3A, %mul3A_2 : i32
    %iota3A_4 = tpu.iota {dimensions = array<i32: 0>} : vector<16xi32>
    %broadcast_in_dim3A_5 = arith.constant 0 : i32
    %broadcast_in_dim3A_6 = vector.broadcast %broadcast_in_dim3A_5 : i32 to vector<16xi32>
    %dma_start3A = arith.constant 0 : i32
    %dma_start3A_7 = arith.constant 0 : i32
    %dma_start3A_8 = arith.constant 0 : i32
    %dma_start3A_9 = arith.constant 0 : i32
    %dma_start3A_10 = tpu.memref_slice %arg4[%dma_start3A, %dma_start3A_8, %dma_start3A_9] : memref<2x32x512xi32, #tpu.memory_space<vmem>> -> memref<1x32x512xi32, #tpu.memory_space<vmem>>
    %dma_start3A_11 = tpu.memref_squeeze %dma_start3A_10 : memref<1x32x512xi32, #tpu.memory_space<vmem>> -> memref<32x512xi32, #tpu.memory_space<vmem>>
    %dma_start3A_12 = arith.constant 0 : i32
    %dma_start3A_13 = tpu.memref_slice %arg2[%mul3A_3, %dma_start3A_12] : memref<8192x512xi32, #tpu.memory_space<hbm>> -> memref<32x512xi32, #tpu.memory_space<hbm>>
    %dma_start3A_14 = tpu.memref_slice %arg7[%dma_start3A_7] : memref<2x!tpu.dma_semaphore, #tpu.memory_space<semaphore_mem>> -> memref<1x!tpu.dma_semaphore, #tpu.memory_space<semaphore_mem>>
    %dma_start3A_15 = tpu.memref_squeeze %dma_start3A_14 : memref<1x!tpu.dma_semaphore, #tpu.memory_space<semaphore_mem>> -> memref<!tpu.dma_semaphore, #tpu.memory_space<semaphore_mem>>
    %dma_start3A_16 = arith.constant 0 : i32
    %dma_start3A_17 = arith.constant 0 : i32
    %dma_start3A_18 = tpu.memref_slice %arg4[%dma_start3A, %dma_start3A_16, %dma_start3A_17] : memref<2x32x512xi32, #tpu.memory_space<vmem>> -> memref<1x32x512xi32, #tpu.memory_space<vmem>>
    %dma_start3A_19 = tpu.memref_squeeze %dma_start3A_18 : memref<1x32x512xi32, #tpu.memory_space<vmem>> -> memref<32x512xi32, #tpu.memory_space<vmem>>
    %dma_start3A_20 = arith.constant 0 : i32
    %dma_start3A_21 = tpu.memref_slice %arg2[%mul3A_3, %dma_start3A_20] : memref<8192x512xi32, #tpu.memory_space<hbm>> -> memref<32x512xi32, #tpu.memory_space<hbm>>
    tpu.enqueue_dma source(%dma_start3A_21 : memref<32x512xi32, #tpu.memory_space<hbm>>) target(%dma_start3A_19 : memref<32x512xi32, #tpu.memory_space<vmem>>) target_semaphore(%dma_start3A_15 : memref<!tpu.dma_semaphore, #tpu.memory_space<semaphore_mem>>)
    %add3A_22 = arith.constant 32 : i32
    %add3A_23 = arith.addi %mul3A_3, %add3A_22 : i32
    %dma_start3A_24 = arith.constant 1 : i32
    %dma_start3A_25 = arith.constant 1 : i32
    %dma_start3A_26 = arith.constant 0 : i32
    %dma_start3A_27 = arith.constant 0 : i32
    %dma_start3A_28 = tpu.memref_slice %arg4[%dma_start3A_24, %dma_start3A_26, %dma_start3A_27] : memref<2x32x512xi32, #tpu.memory_space<vmem>> -> memref<1x32x512xi32, #tpu.memory_space<vmem>>
    %dma_start3A_29 = tpu.memref_squeeze %dma_start3A_28 : memref<1x32x512xi32, #tpu.memory_space<vmem>> -> memref<32x512xi32, #tpu.memory_space<vmem>>
    %dma_start3A_30 = arith.constant 0 : i32
    %dma_start3A_31 = tpu.memref_slice %arg2[%add3A_23, %dma_start3A_30] : memref<8192x512xi32, #tpu.memory_space<hbm>> -> memref<32x512xi32, #tpu.memory_space<hbm>>
    %dma_start3A_32 = tpu.memref_slice %arg7[%dma_start3A_25] : memref<2x!tpu.dma_semaphore, #tpu.memory_space<semaphore_mem>> -> memref<1x!tpu.dma_semaphore, #tpu.memory_space<semaphore_mem>>
    %dma_start3A_33 = tpu.memref_squeeze %dma_start3A_32 : memref<1x!tpu.dma_semaphore, #tpu.memory_space<semaphore_mem>> -> memref<!tpu.dma_semaphore, #tpu.memory_space<semaphore_mem>>
    %dma_start3A_34 = arith.constant 0 : i32
    %dma_start3A_35 = arith.constant 0 : i32
    %dma_start3A_36 = tpu.memref_slice %arg4[%dma_start3A_24, %dma_start3A_34, %dma_start3A_35] : memref<2x32x512xi32, #tpu.memory_space<vmem>> -> memref<1x32x512xi32, #tpu.memory_space<vmem>>
    %dma_start3A_37 = tpu.memref_squeeze %dma_start3A_36 : memref<1x32x512xi32, #tpu.memory_space<vmem>> -> memref<32x512xi32, #tpu.memory_space<vmem>>
    %dma_start3A_38 = arith.constant 0 : i32
    %dma_start3A_39 = tpu.memref_slice %arg2[%add3A_23, %dma_start3A_38] : memref<8192x512xi32, #tpu.memory_space<hbm>> -> memref<32x512xi32, #tpu.memory_space<hbm>>
    tpu.enqueue_dma source(%dma_start3A_39 : memref<32x512xi32, #tpu.memory_space<hbm>>) target(%dma_start3A_37 : memref<32x512xi32, #tpu.memory_space<vmem>>) target_semaphore(%dma_start3A_33 : memref<!tpu.dma_semaphore, #tpu.memory_space<semaphore_mem>>)
    %dma_wait3A = arith.constant 0 : i32
    %dma_wait3A_40 = arith.constant 0 : i32
    %dma_wait3A_41 = arith.constant 0 : i32
    %dma_wait3A_42 = arith.constant 0 : i32
    %dma_wait3A_43 = tpu.memref_slice %arg4[%dma_wait3A, %dma_wait3A_41, %dma_wait3A_42] : memref<2x32x512xi32, #tpu.memory_space<vmem>> -> memref<1x32x512xi32, #tpu.memory_space<vmem>>
    %dma_wait3A_44 = tpu.memref_squeeze %dma_wait3A_43 : memref<1x32x512xi32, #tpu.memory_space<vmem>> -> memref<32x512xi32, #tpu.memory_space<vmem>>
    %dma_wait3A_45 = arith.constant 0 : i32
    %dma_wait3A_46 = tpu.memref_slice %arg2[%mul3A_3, %dma_wait3A_45] : memref<8192x512xi32, #tpu.memory_space<hbm>> -> memref<32x512xi32, #tpu.memory_space<hbm>>
    %dma_wait3A_47 = tpu.memref_slice %arg7[%dma_wait3A_40] : memref<2x!tpu.dma_semaphore, #tpu.memory_space<semaphore_mem>> -> memref<1x!tpu.dma_semaphore, #tpu.memory_space<semaphore_mem>>
    %dma_wait3A_48 = tpu.memref_squeeze %dma_wait3A_47 : memref<1x!tpu.dma_semaphore, #tpu.memory_space<semaphore_mem>> -> memref<!tpu.dma_semaphore, #tpu.memory_space<semaphore_mem>>
    %dma_wait3A_49 = arith.constant 0 : i32
    %dma_wait3A_50 = arith.constant 0 : i32
    %dma_wait3A_51 = tpu.memref_slice %arg4[%dma_wait3A, %dma_wait3A_49, %dma_wait3A_50] : memref<2x32x512xi32, #tpu.memory_space<vmem>> -> memref<1x32x512xi32, #tpu.memory_space<vmem>>
    %dma_wait3A_52 = tpu.memref_squeeze %dma_wait3A_51 : memref<1x32x512xi32, #tpu.memory_space<vmem>> -> memref<32x512xi32, #tpu.memory_space<vmem>>
    %dma_wait3A_53 = arith.constant 0 : i32
    %dma_wait3A_54 = tpu.memref_slice %arg2[%mul3A_3, %dma_wait3A_53] : memref<8192x512xi32, #tpu.memory_space<hbm>> -> memref<32x512xi32, #tpu.memory_space<hbm>>
    tpu.wait_dma2 semaphore(%dma_wait3A_48 : memref<!tpu.dma_semaphore, #tpu.memory_space<semaphore_mem>>) src(%dma_wait3A_54 : memref<32x512xi32, #tpu.memory_space<hbm>>) dst(%dma_wait3A_52 : memref<32x512xi32, #tpu.memory_space<vmem>>)
    %add3A_55 = arith.constant 64 : i32
    %add3A_56 = arith.addi %mul3A_3, %add3A_55 : i32
    %dma_start3A_57 = arith.constant 0 : i32
    %dma_start3A_58 = arith.constant 0 : i32
    %dma_start3A_59 = arith.constant 0 : i32
    %dma_start3A_60 = arith.constant 0 : i32
    %dma_start3A_61 = tpu.memref_slice %arg4[%dma_start3A_57, %dma_start3A_59, %dma_start3A_60] : memref<2x32x512xi32, #tpu.memory_space<vmem>> -> memref<1x32x512xi32, #tpu.memory_space<vmem>>
    %dma_start3A_62 = tpu.memref_squeeze %dma_start3A_61 : memref<1x32x512xi32, #tpu.memory_space<vmem>> -> memref<32x512xi32, #tpu.memory_space<vmem>>
    %dma_start3A_63 = arith.constant 0 : i32
    %dma_start3A_64 = tpu.memref_slice %arg2[%add3A_56, %dma_start3A_63] : memref<8192x512xi32, #tpu.memory_space<hbm>> -> memref<32x512xi32, #tpu.memory_space<hbm>>
    %dma_start3A_65 = tpu.memref_slice %arg7[%dma_start3A_58] : memref<2x!tpu.dma_semaphore, #tpu.memory_space<semaphore_mem>> -> memref<1x!tpu.dma_semaphore, #tpu.memory_space<semaphore_mem>>
    %dma_start3A_66 = tpu.memref_squeeze %dma_start3A_65 : memref<1x!tpu.dma_semaphore, #tpu.memory_space<semaphore_mem>> -> memref<!tpu.dma_semaphore, #tpu.memory_space<semaphore_mem>>
    %dma_start3A_67 = arith.constant 0 : i32
    %dma_start3A_68 = arith.constant 0 : i32
    %dma_start3A_69 = tpu.memref_slice %arg4[%dma_start3A_57, %dma_start3A_67, %dma_start3A_68] : memref<2x32x512xi32, #tpu.memory_space<vmem>> -> memref<1x32x512xi32, #tpu.memory_space<vmem>>
    %dma_start3A_70 = tpu.memref_squeeze %dma_start3A_69 : memref<1x32x512xi32, #tpu.memory_space<vmem>> -> memref<32x512xi32, #tpu.memory_space<vmem>>
    %dma_start3A_71 = arith.constant 0 : i32
    %dma_start3A_72 = tpu.memref_slice %arg2[%add3A_56, %dma_start3A_71] : memref<8192x512xi32, #tpu.memory_space<hbm>> -> memref<32x512xi32, #tpu.memory_space<hbm>>
    tpu.enqueue_dma source(%dma_start3A_72 : memref<32x512xi32, #tpu.memory_space<hbm>>) target(%dma_start3A_70 : memref<32x512xi32, #tpu.memory_space<vmem>>) target_semaphore(%dma_start3A_66 : memref<!tpu.dma_semaphore, #tpu.memory_space<semaphore_mem>>)
    %dma_wait3A_73 = arith.constant 1 : i32
    %dma_wait3A_74 = arith.constant 1 : i32
    %dma_wait3A_75 = arith.constant 0 : i32
    %dma_wait3A_76 = arith.constant 0 : i32
    %dma_wait3A_77 = tpu.memref_slice %arg4[%dma_wait3A_73, %dma_wait3A_75, %dma_wait3A_76] : memref<2x32x512xi32, #tpu.memory_space<vmem>> -> memref<1x32x512xi32, #tpu.memory_space<vmem>>
    %dma_wait3A_78 = tpu.memref_squeeze %dma_wait3A_77 : memref<1x32x512xi32, #tpu.memory_space<vmem>> -> memref<32x512xi32, #tpu.memory_space<vmem>>
    %dma_wait3A_79 = arith.constant 0 : i32
    %dma_wait3A_80 = tpu.memref_slice %arg2[%add3A_23, %dma_wait3A_79] : memref<8192x512xi32, #tpu.memory_space<hbm>> -> memref<32x512xi32, #tpu.memory_space<hbm>>
    %dma_wait3A_81 = tpu.memref_slice %arg7[%dma_wait3A_74] : memref<2x!tpu.dma_semaphore, #tpu.memory_space<semaphore_mem>> -> memref<1x!tpu.dma_semaphore, #tpu.memory_space<semaphore_mem>>
    %dma_wait3A_82 = tpu.memref_squeeze %dma_wait3A_81 : memref<1x!tpu.dma_semaphore, #tpu.memory_space<semaphore_mem>> -> memref<!tpu.dma_semaphore, #tpu.memory_space<semaphore_mem>>
    %dma_wait3A_83 = arith.constant 0 : i32
    %dma_wait3A_84 = arith.constant 0 : i32
    %dma_wait3A_85 = tpu.memref_slice %arg4[%dma_wait3A_73, %dma_wait3A_83, %dma_wait3A_84] : memref<2x32x512xi32, #tpu.memory_space<vmem>> -> memref<1x32x512xi32, #tpu.memory_space<vmem>>
    %dma_wait3A_86 = tpu.memref_squeeze %dma_wait3A_85 : memref<1x32x512xi32, #tpu.memory_space<vmem>> -> memref<32x512xi32, #tpu.memory_space<vmem>>
    %dma_wait3A_87 = arith.constant 0 : i32
    %dma_wait3A_88 = tpu.memref_slice %arg2[%add3A_23, %dma_wait3A_87] : memref<8192x512xi32, #tpu.memory_space<hbm>> -> memref<32x512xi32, #tpu.memory_space<hbm>>
    tpu.wait_dma2 semaphore(%dma_wait3A_82 : memref<!tpu.dma_semaphore, #tpu.memory_space<semaphore_mem>>) src(%dma_wait3A_88 : memref<32x512xi32, #tpu.memory_space<hbm>>) dst(%dma_wait3A_86 : memref<32x512xi32, #tpu.memory_space<vmem>>)
    %add3A_89 = arith.constant 96 : i32
    %add3A_90 = arith.addi %mul3A_3, %add3A_89 : i32
    %dma_start3A_91 = arith.constant 1 : i32
    %dma_start3A_92 = arith.constant 1 : i32
    %dma_start3A_93 = arith.constant 0 : i32
    %dma_start3A_94 = arith.constant 0 : i32
    %dma_start3A_95 = tpu.memref_slice %arg4[%dma_start3A_91, %dma_start3A_93, %dma_start3A_94] : memref<2x32x512xi32, #tpu.memory_space<vmem>> -> memref<1x32x512xi32, #tpu.memory_space<vmem>>
    %dma_start3A_96 = tpu.memref_squeeze %dma_start3A_95 : memref<1x32x512xi32, #tpu.memory_space<vmem>> -> memref<32x512xi32, #tpu.memory_space<vmem>>
    %dma_start3A_97 = arith.constant 0 : i32
    %dma_start3A_98 = tpu.memref_slice %arg2[%add3A_90, %dma_start3A_97] : memref<8192x512xi32, #tpu.memory_space<hbm>> -> memref<32x512xi32, #tpu.memory_space<hbm>>
    %dma_start3A_99 = tpu.memref_slice %arg7[%dma_start3A_92] : memref<2x!tpu.dma_semaphore, #tpu.memory_space<semaphore_mem>> -> memref<1x!tpu.dma_semaphore, #tpu.memory_space<semaphore_mem>>
    %dma_start3A_100 = tpu.memref_squeeze %dma_start3A_99 : memref<1x!tpu.dma_semaphore, #tpu.memory_space<semaphore_mem>> -> memref<!tpu.dma_semaphore, #tpu.memory_space<semaphore_mem>>
    %dma_start3A_101 = arith.constant 0 : i32
    %dma_start3A_102 = arith.constant 0 : i32
    %dma_start3A_103 = tpu.memref_slice %arg4[%dma_start3A_91, %dma_start3A_101, %dma_start3A_102] : memref<2x32x512xi32, #tpu.memory_space<vmem>> -> memref<1x32x512xi32, #tpu.memory_space<vmem>>
    %dma_start3A_104 = tpu.memref_squeeze %dma_start3A_103 : memref<1x32x512xi32, #tpu.memory_space<vmem>> -> memref<32x512xi32, #tpu.memory_space<vmem>>
    %dma_start3A_105 = arith.constant 0 : i32
    %dma_start3A_106 = tpu.memref_slice %arg2[%add3A_90, %dma_start3A_105] : memref<8192x512xi32, #tpu.memory_space<hbm>> -> memref<32x512xi32, #tpu.memory_space<hbm>>
    tpu.enqueue_dma source(%dma_start3A_106 : memref<32x512xi32, #tpu.memory_space<hbm>>) target(%dma_start3A_104 : memref<32x512xi32, #tpu.memory_space<vmem>>) target_semaphore(%dma_start3A_100 : memref<!tpu.dma_semaphore, #tpu.memory_space<semaphore_mem>>)
    %dma_wait3A_107 = arith.constant 0 : i32
    %dma_wait3A_108 = arith.constant 0 : i32
    %dma_wait3A_109 = arith.constant 0 : i32
    %dma_wait3A_110 = arith.constant 0 : i32
    %dma_wait3A_111 = tpu.memref_slice %arg4[%dma_wait3A_107, %dma_wait3A_109, %dma_wait3A_110] : memref<2x32x512xi32, #tpu.memory_space<vmem>> -> memref<1x32x512xi32, #tpu.memory_space<vmem>>
    %dma_wait3A_112 = tpu.memref_squeeze %dma_wait3A_111 : memref<1x32x512xi32, #tpu.memory_space<vmem>> -> memref<32x512xi32, #tpu.memory_space<vmem>>
    %dma_wait3A_113 = arith.constant 0 : i32
    %dma_wait3A_114 = tpu.memref_slice %arg2[%add3A_56, %dma_wait3A_113] : memref<8192x512xi32, #tpu.memory_space<hbm>> -> memref<32x512xi32, #tpu.memory_space<hbm>>
    %dma_wait3A_115 = tpu.memref_slice %arg7[%dma_wait3A_108] : memref<2x!tpu.dma_semaphore, #tpu.memory_space<semaphore_mem>> -> memref<1x!tpu.dma_semaphore, #tpu.memory_space<semaphore_mem>>
    %dma_wait3A_116 = tpu.memref_squeeze %dma_wait3A_115 : memref<1x!tpu.dma_semaphore, #tpu.memory_space<semaphore_mem>> -> memref<!tpu.dma_semaphore, #tpu.memory_space<semaphore_mem>>
    %dma_wait3A_117 = arith.constant 0 : i32
    %dma_wait3A_118 = arith.constant 0 : i32
    %dma_wait3A_119 = tpu.memref_slice %arg4[%dma_wait3A_107, %dma_wait3A_117, %dma_wait3A_118] : memref<2x32x512xi32, #tpu.memory_space<vmem>> -> memref<1x32x512xi32, #tpu.memory_space<vmem>>
    %dma_wait3A_120 = tpu.memref_squeeze %dma_wait3A_119 : memref<1x32x512xi32, #tpu.memory_space<vmem>> -> memref<32x512xi32, #tpu.memory_space<vmem>>
    %dma_wait3A_121 = arith.constant 0 : i32
    %dma_wait3A_122 = tpu.memref_slice %arg2[%add3A_56, %dma_wait3A_121] : memref<8192x512xi32, #tpu.memory_space<hbm>> -> memref<32x512xi32, #tpu.memory_space<hbm>>
    tpu.wait_dma2 semaphore(%dma_wait3A_116 : memref<!tpu.dma_semaphore, #tpu.memory_space<semaphore_mem>>) src(%dma_wait3A_122 : memref<32x512xi32, #tpu.memory_space<hbm>>) dst(%dma_wait3A_120 : memref<32x512xi32, #tpu.memory_space<vmem>>)
    %add3A_123 = arith.constant 128 : i32
    %add3A_124 = arith.addi %mul3A_3, %add3A_123 : i32
    %dma_start3A_125 = arith.constant 0 : i32
    %dma_start3A_126 = arith.constant 0 : i32
    %dma_start3A_127 = arith.constant 0 : i32
    %dma_start3A_128 = arith.constant 0 : i32
    %dma_start3A_129 = tpu.memref_slice %arg4[%dma_start3A_125, %dma_start3A_127, %dma_start3A_128] : memref<2x32x512xi32, #tpu.memory_space<vmem>> -> memref<1x32x512xi32, #tpu.memory_space<vmem>>
    %dma_start3A_130 = tpu.memref_squeeze %dma_start3A_129 : memref<1x32x512xi32, #tpu.memory_space<vmem>> -> memref<32x512xi32, #tpu.memory_space<vmem>>
    %dma_start3A_131 = arith.constant 0 : i32
    %dma_start3A_132 = tpu.memref_slice %arg2[%add3A_124, %dma_start3A_131] : memref<8192x512xi32, #tpu.memory_space<hbm>> -> memref<32x512xi32, #tpu.memory_space<hbm>>
    %dma_start3A_133 = tpu.memref_slice %arg7[%dma_start3A_126] : memref<2x!tpu.dma_semaphore, #tpu.memory_space<semaphore_mem>> -> memref<1x!tpu.dma_semaphore, #tpu.memory_space<semaphore_mem>>
    %dma_start3A_134 = tpu.memref_squeeze %dma_start3A_133 : memref<1x!tpu.dma_semaphore, #tpu.memory_space<semaphore_mem>> -> memref<!tpu.dma_semaphore, #tpu.memory_space<semaphore_mem>>
    %dma_start3A_135 = arith.constant 0 : i32
    %dma_start3A_136 = arith.constant 0 : i32
    %dma_start3A_137 = tpu.memref_slice %arg4[%dma_start3A_125, %dma_start3A_135, %dma_start3A_136] : memref<2x32x512xi32, #tpu.memory_space<vmem>> -> memref<1x32x512xi32, #tpu.memory_space<vmem>>
    %dma_start3A_138 = tpu.memref_squeeze %dma_start3A_137 : memref<1x32x512xi32, #tpu.memory_space<vmem>> -> memref<32x512xi32, #tpu.memory_space<vmem>>
    %dma_start3A_139 = arith.constant 0 : i32
    %dma_start3A_140 = tpu.memref_slice %arg2[%add3A_124, %dma_start3A_139] : memref<8192x512xi32, #tpu.memory_space<hbm>> -> memref<32x512xi32, #tpu.memory_space<hbm>>
    tpu.enqueue_dma source(%dma_start3A_140 : memref<32x512xi32, #tpu.memory_space<hbm>>) target(%dma_start3A_138 : memref<32x512xi32, #tpu.memory_space<vmem>>) target_semaphore(%dma_start3A_134 : memref<!tpu.dma_semaphore, #tpu.memory_space<semaphore_mem>>)
    %dma_wait3A_141 = arith.constant 1 : i32
    %dma_wait3A_142 = arith.constant 1 : i32
    %dma_wait3A_143 = arith.constant 0 : i32
    %dma_wait3A_144 = arith.constant 0 : i32
    %dma_wait3A_145 = tpu.memref_slice %arg4[%dma_wait3A_141, %dma_wait3A_143, %dma_wait3A_144] : memref<2x32x512xi32, #tpu.memory_space<vmem>> -> memref<1x32x512xi32, #tpu.memory_space<vmem>>
    %dma_wait3A_146 = tpu.memref_squeeze %dma_wait3A_145 : memref<1x32x512xi32, #tpu.memory_space<vmem>> -> memref<32x512xi32, #tpu.memory_space<vmem>>
    %dma_wait3A_147 = arith.constant 0 : i32
    %dma_wait3A_148 = tpu.memref_slice %arg2[%add3A_90, %dma_wait3A_147] : memref<8192x512xi32, #tpu.memory_space<hbm>> -> memref<32x512xi32, #tpu.memory_space<hbm>>
    %dma_wait3A_149 = tpu.memref_slice %arg7[%dma_wait3A_142] : memref<2x!tpu.dma_semaphore, #tpu.memory_space<semaphore_mem>> -> memref<1x!tpu.dma_semaphore, #tpu.memory_space<semaphore_mem>>
    %dma_wait3A_150 = tpu.memref_squeeze %dma_wait3A_149 : memref<1x!tpu.dma_semaphore, #tpu.memory_space<semaphore_mem>> -> memref<!tpu.dma_semaphore, #tpu.memory_space<semaphore_mem>>
    %dma_wait3A_151 = arith.constant 0 : i32
    %dma_wait3A_152 = arith.constant 0 : i32
    %dma_wait3A_153 = tpu.memref_slice %arg4[%dma_wait3A_141, %dma_wait3A_151, %dma_wait3A_152] : memref<2x32x512xi32, #tpu.memory_space<vmem>> -> memref<1x32x512xi32, #tpu.memory_space<vmem>>
    %dma_wait3A_154 = tpu.memref_squeeze %dma_wait3A_153 : memref<1x32x512xi32, #tpu.memory_space<vmem>> -> memref<32x512xi32, #tpu.memory_space<vmem>>
    %dma_wait3A_155 = arith.constant 0 : i32
    %dma_wait3A_156 = tpu.memref_slice %arg2[%add3A_90, %dma_wait3A_155] : memref<8192x512xi32, #tpu.memory_space<hbm>> -> memref<32x512xi32, #tpu.memory_space<hbm>>
    tpu.wait_dma2 semaphore(%dma_wait3A_150 : memref<!tpu.dma_semaphore, #tpu.memory_space<semaphore_mem>>) src(%dma_wait3A_156 : memref<32x512xi32, #tpu.memory_space<hbm>>) dst(%dma_wait3A_154 : memref<32x512xi32, #tpu.memory_space<vmem>>)
    %add3A_157 = arith.constant 160 : i32
    %add3A_158 = arith.addi %mul3A_3, %add3A_157 : i32
    %dma_start3A_159 = arith.constant 1 : i32
    %dma_start3A_160 = arith.constant 1 : i32
    %dma_start3A_161 = arith.constant 0 : i32
    %dma_start3A_162 = arith.constant 0 : i32
    %dma_start3A_163 = tpu.memref_slice %arg4[%dma_start3A_159, %dma_start3A_161, %dma_start3A_162] : memref<2x32x512xi32, #tpu.memory_space<vmem>> -> memref<1x32x512xi32, #tpu.memory_space<vmem>>
    %dma_start3A_164 = tpu.memref_squeeze %dma_start3A_163 : memref<1x32x512xi32, #tpu.memory_space<vmem>> -> memref<32x512xi32, #tpu.memory_space<vmem>>
    %dma_start3A_165 = arith.constant 0 : i32
    %dma_start3A_166 = tpu.memref_slice %arg2[%add3A_158, %dma_start3A_165] : memref<8192x512xi32, #tpu.memory_space<hbm>> -> memref<32x512xi32, #tpu.memory_space<hbm>>
    %dma_start3A_167 = tpu.memref_slice %arg7[%dma_start3A_160] : memref<2x!tpu.dma_semaphore, #tpu.memory_space<semaphore_mem>> -> memref<1x!tpu.dma_semaphore, #tpu.memory_space<semaphore_mem>>
    %dma_start3A_168 = tpu.memref_squeeze %dma_start3A_167 : memref<1x!tpu.dma_semaphore, #tpu.memory_space<semaphore_mem>> -> memref<!tpu.dma_semaphore, #tpu.memory_space<semaphore_mem>>
    %dma_start3A_169 = arith.constant 0 : i32
    %dma_start3A_170 = arith.constant 0 : i32
    %dma_start3A_171 = tpu.memref_slice %arg4[%dma_start3A_159, %dma_start3A_169, %dma_start3A_170] : memref<2x32x512xi32, #tpu.memory_space<vmem>> -> memref<1x32x512xi32, #tpu.memory_space<vmem>>
    %dma_start3A_172 = tpu.memref_squeeze %dma_start3A_171 : memref<1x32x512xi32, #tpu.memory_space<vmem>> -> memref<32x512xi32, #tpu.memory_space<vmem>>
    %dma_start3A_173 = arith.constant 0 : i32
    %dma_start3A_174 = tpu.memref_slice %arg2[%add3A_158, %dma_start3A_173] : memref<8192x512xi32, #tpu.memory_space<hbm>> -> memref<32x512xi32, #tpu.memory_space<hbm>>
    tpu.enqueue_dma source(%dma_start3A_174 : memref<32x512xi32, #tpu.memory_space<hbm>>) target(%dma_start3A_172 : memref<32x512xi32, #tpu.memory_space<vmem>>) target_semaphore(%dma_start3A_168 : memref<!tpu.dma_semaphore, #tpu.memory_space<semaphore_mem>>)
    %dma_wait3A_175 = arith.constant 0 : i32
    %dma_wait3A_176 = arith.constant 0 : i32
    %dma_wait3A_177 = arith.constant 0 : i32
    %dma_wait3A_178 = arith.constant 0 : i32
    %dma_wait3A_179 = tpu.memref_slice %arg4[%dma_wait3A_175, %dma_wait3A_177, %dma_wait3A_178] : memref<2x32x512xi32, #tpu.memory_space<vmem>> -> memref<1x32x512xi32, #tpu.memory_space<vmem>>
    %dma_wait3A_180 = tpu.memref_squeeze %dma_wait3A_179 : memref<1x32x512xi32, #tpu.memory_space<vmem>> -> memref<32x512xi32, #tpu.memory_space<vmem>>
    %dma_wait3A_181 = arith.constant 0 : i32
    %dma_wait3A_182 = tpu.memref_slice %arg2[%add3A_124, %dma_wait3A_181] : memref<8192x512xi32, #tpu.memory_space<hbm>> -> memref<32x512xi32, #tpu.memory_space<hbm>>
    %dma_wait3A_183 = tpu.memref_slice %arg7[%dma_wait3A_176] : memref<2x!tpu.dma_semaphore, #tpu.memory_space<semaphore_mem>> -> memref<1x!tpu.dma_semaphore, #tpu.memory_space<semaphore_mem>>
    %dma_wait3A_184 = tpu.memref_squeeze %dma_wait3A_183 : memref<1x!tpu.dma_semaphore, #tpu.memory_space<semaphore_mem>> -> memref<!tpu.dma_semaphore, #tpu.memory_space<semaphore_mem>>
    %dma_wait3A_185 = arith.constant 0 : i32
    %dma_wait3A_186 = arith.constant 0 : i32
    %dma_wait3A_187 = tpu.memref_slice %arg4[%dma_wait3A_175, %dma_wait3A_185, %dma_wait3A_186] : memref<2x32x512xi32, #tpu.memory_space<vmem>> -> memref<1x32x512xi32, #tpu.memory_space<vmem>>
    %dma_wait3A_188 = tpu.memref_squeeze %dma_wait3A_187 : memref<1x32x512xi32, #tpu.memory_space<vmem>> -> memref<32x512xi32, #tpu.memory_space<vmem>>
    %dma_wait3A_189 = arith.constant 0 : i32
    %dma_wait3A_190 = tpu.memref_slice %arg2[%add3A_124, %dma_wait3A_189] : memref<8192x512xi32, #tpu.memory_space<hbm>> -> memref<32x512xi32, #tpu.memory_space<hbm>>
    tpu.wait_dma2 semaphore(%dma_wait3A_184 : memref<!tpu.dma_semaphore, #tpu.memory_space<semaphore_mem>>) src(%dma_wait3A_190 : memref<32x512xi32, #tpu.memory_space<hbm>>) dst(%dma_wait3A_188 : memref<32x512xi32, #tpu.memory_space<vmem>>)
    %add3A_191 = arith.constant 192 : i32
    %add3A_192 = arith.addi %mul3A_3, %add3A_191 : i32
    %dma_start3A_193 = arith.constant 0 : i32
    %dma_start3A_194 = arith.constant 0 : i32
    %dma_start3A_195 = arith.constant 0 : i32
    %dma_start3A_196 = arith.constant 0 : i32
    %dma_start3A_197 = tpu.memref_slice %arg4[%dma_start3A_193, %dma_start3A_195, %dma_start3A_196] : memref<2x32x512xi32, #tpu.memory_space<vmem>> -> memref<1x32x512xi32, #tpu.memory_space<vmem>>
    %dma_start3A_198 = tpu.memref_squeeze %dma_start3A_197 : memref<1x32x512xi32, #tpu.memory_space<vmem>> -> memref<32x512xi32, #tpu.memory_space<vmem>>
    %dma_start3A_199 = arith.constant 0 : i32
    %dma_start3A_200 = tpu.memref_slice %arg2[%add3A_192, %dma_start3A_199] : memref<8192x512xi32, #tpu.memory_space<hbm>> -> memref<32x512xi32, #tpu.memory_space<hbm>>
    %dma_start3A_201 = tpu.memref_slice %arg7[%dma_start3A_194] : memref<2x!tpu.dma_semaphore, #tpu.memory_space<semaphore_mem>> -> memref<1x!tpu.dma_semaphore, #tpu.memory_space<semaphore_mem>>
    %dma_start3A_202 = tpu.memref_squeeze %dma_start3A_201 : memref<1x!tpu.dma_semaphore, #tpu.memory_space<semaphore_mem>> -> memref<!tpu.dma_semaphore, #tpu.memory_space<semaphore_mem>>
    %dma_start3A_203 = arith.constant 0 : i32
    %dma_start3A_204 = arith.constant 0 : i32
    %dma_start3A_205 = tpu.memref_slice %arg4[%dma_start3A_193, %dma_start3A_203, %dma_start3A_204] : memref<2x32x512xi32, #tpu.memory_space<vmem>> -> memref<1x32x512xi32, #tpu.memory_space<vmem>>
    %dma_start3A_206 = tpu.memref_squeeze %dma_start3A_205 : memref<1x32x512xi32, #tpu.memory_space<vmem>> -> memref<32x512xi32, #tpu.memory_space<vmem>>
    %dma_start3A_207 = arith.constant 0 : i32
    %dma_start3A_208 = tpu.memref_slice %arg2[%add3A_192, %dma_start3A_207] : memref<8192x512xi32, #tpu.memory_space<hbm>> -> memref<32x512xi32, #tpu.memory_space<hbm>>
    tpu.enqueue_dma source(%dma_start3A_208 : memref<32x512xi32, #tpu.memory_space<hbm>>) target(%dma_start3A_206 : memref<32x512xi32, #tpu.memory_space<vmem>>) target_semaphore(%dma_start3A_202 : memref<!tpu.dma_semaphore, #tpu.memory_space<semaphore_mem>>)
    %dma_wait3A_209 = arith.constant 1 : i32
    %dma_wait3A_210 = arith.constant 1 : i32
    %dma_wait3A_211 = arith.constant 0 : i32
    %dma_wait3A_212 = arith.constant 0 : i32
    %dma_wait3A_213 = tpu.memref_slice %arg4[%dma_wait3A_209, %dma_wait3A_211, %dma_wait3A_212] : memref<2x32x512xi32, #tpu.memory_space<vmem>> -> memref<1x32x512xi32, #tpu.memory_space<vmem>>
    %dma_wait3A_214 = tpu.memref_squeeze %dma_wait3A_213 : memref<1x32x512xi32, #tpu.memory_space<vmem>> -> memref<32x512xi32, #tpu.memory_space<vmem>>
    %dma_wait3A_215 = arith.constant 0 : i32
    %dma_wait3A_216 = tpu.memref_slice %arg2[%add3A_158, %dma_wait3A_215] : memref<8192x512xi32, #tpu.memory_space<hbm>> -> memref<32x512xi32, #tpu.memory_space<hbm>>
    %dma_wait3A_217 = tpu.memref_slice %arg7[%dma_wait3A_210] : memref<2x!tpu.dma_semaphore, #tpu.memory_space<semaphore_mem>> -> memref<1x!tpu.dma_semaphore, #tpu.memory_space<semaphore_mem>>
    %dma_wait3A_218 = tpu.memref_squeeze %dma_wait3A_217 : memref<1x!tpu.dma_semaphore, #tpu.memory_space<semaphore_mem>> -> memref<!tpu.dma_semaphore, #tpu.memory_space<semaphore_mem>>
    %dma_wait3A_219 = arith.constant 0 : i32
    %dma_wait3A_220 = arith.constant 0 : i32
    %dma_wait3A_221 = tpu.memref_slice %arg4[%dma_wait3A_209, %dma_wait3A_219, %dma_wait3A_220] : memref<2x32x512xi32, #tpu.memory_space<vmem>> -> memref<1x32x512xi32, #tpu.memory_space<vmem>>
    %dma_wait3A_222 = tpu.memref_squeeze %dma_wait3A_221 : memref<1x32x512xi32, #tpu.memory_space<vmem>> -> memref<32x512xi32, #tpu.memory_space<vmem>>
    %dma_wait3A_223 = arith.constant 0 : i32
    %dma_wait3A_224 = tpu.memref_slice %arg2[%add3A_158, %dma_wait3A_223] : memref<8192x512xi32, #tpu.memory_space<hbm>> -> memref<32x512xi32, #tpu.memory_space<hbm>>
    tpu.wait_dma2 semaphore(%dma_wait3A_218 : memref<!tpu.dma_semaphore, #tpu.memory_space<semaphore_mem>>) src(%dma_wait3A_224 : memref<32x512xi32, #tpu.memory_space<hbm>>) dst(%dma_wait3A_222 : memref<32x512xi32, #tpu.memory_space<vmem>>)
    %add3A_225 = arith.constant 224 : i32
    %add3A_226 = arith.addi %mul3A_3, %add3A_225 : i32
    %dma_start3A_227 = arith.constant 1 : i32
    %dma_start3A_228 = arith.constant 1 : i32
    %dma_start3A_229 = arith.constant 0 : i32
    %dma_start3A_230 = arith.constant 0 : i32
    %dma_start3A_231 = tpu.memref_slice %arg4[%dma_start3A_227, %dma_start3A_229, %dma_start3A_230] : memref<2x32x512xi32, #tpu.memory_space<vmem>> -> memref<1x32x512xi32, #tpu.memory_space<vmem>>
    %dma_start3A_232 = tpu.memref_squeeze %dma_start3A_231 : memref<1x32x512xi32, #tpu.memory_space<vmem>> -> memref<32x512xi32, #tpu.memory_space<vmem>>
    %dma_start3A_233 = arith.constant 0 : i32
    %dma_start3A_234 = tpu.memref_slice %arg2[%add3A_226, %dma_start3A_233] : memref<8192x512xi32, #tpu.memory_space<hbm>> -> memref<32x512xi32, #tpu.memory_space<hbm>>
    %dma_start3A_235 = tpu.memref_slice %arg7[%dma_start3A_228] : memref<2x!tpu.dma_semaphore, #tpu.memory_space<semaphore_mem>> -> memref<1x!tpu.dma_semaphore, #tpu.memory_space<semaphore_mem>>
    %dma_start3A_236 = tpu.memref_squeeze %dma_start3A_235 : memref<1x!tpu.dma_semaphore, #tpu.memory_space<semaphore_mem>> -> memref<!tpu.dma_semaphore, #tpu.memory_space<semaphore_mem>>
    %dma_start3A_237 = arith.constant 0 : i32
    %dma_start3A_238 = arith.constant 0 : i32
    %dma_start3A_239 = tpu.memref_slice %arg4[%dma_start3A_227, %dma_start3A_237, %dma_start3A_238] : memref<2x32x512xi32, #tpu.memory_space<vmem>> -> memref<1x32x512xi32, #tpu.memory_space<vmem>>
    %dma_start3A_240 = tpu.memref_squeeze %dma_start3A_239 : memref<1x32x512xi32, #tpu.memory_space<vmem>> -> memref<32x512xi32, #tpu.memory_space<vmem>>
    %dma_start3A_241 = arith.constant 0 : i32
    %dma_start3A_242 = tpu.memref_slice %arg2[%add3A_226, %dma_start3A_241] : memref<8192x512xi32, #tpu.memory_space<hbm>> -> memref<32x512xi32, #tpu.memory_space<hbm>>
    tpu.enqueue_dma source(%dma_start3A_242 : memref<32x512xi32, #tpu.memory_space<hbm>>) target(%dma_start3A_240 : memref<32x512xi32, #tpu.memory_space<vmem>>) target_semaphore(%dma_start3A_236 : memref<!tpu.dma_semaphore, #tpu.memory_space<semaphore_mem>>)
    %dma_wait3A_243 = arith.constant 0 : i32
    %dma_wait3A_244 = arith.constant 0 : i32
    %dma_wait3A_245 = arith.constant 0 : i32
    %dma_wait3A_246 = arith.constant 0 : i32
    %dma_wait3A_247 = tpu.memref_slice %arg4[%dma_wait3A_243, %dma_wait3A_245, %dma_wait3A_246] : memref<2x32x512xi32, #tpu.memory_space<vmem>> -> memref<1x32x512xi32, #tpu.memory_space<vmem>>
    %dma_wait3A_248 = tpu.memref_squeeze %dma_wait3A_247 : memref<1x32x512xi32, #tpu.memory_space<vmem>> -> memref<32x512xi32, #tpu.memory_space<vmem>>
    %dma_wait3A_249 = arith.constant 0 : i32
    %dma_wait3A_250 = tpu.memref_slice %arg2[%add3A_192, %dma_wait3A_249] : memref<8192x512xi32, #tpu.memory_space<hbm>> -> memref<32x512xi32, #tpu.memory_space<hbm>>
    %dma_wait3A_251 = tpu.memref_slice %arg7[%dma_wait3A_244] : memref<2x!tpu.dma_semaphore, #tpu.memory_space<semaphore_mem>> -> memref<1x!tpu.dma_semaphore, #tpu.memory_space<semaphore_mem>>
    %dma_wait3A_252 = tpu.memref_squeeze %dma_wait3A_251 : memref<1x!tpu.dma_semaphore, #tpu.memory_space<semaphore_mem>> -> memref<!tpu.dma_semaphore, #tpu.memory_space<semaphore_mem>>
    %dma_wait3A_253 = arith.constant 0 : i32
    %dma_wait3A_254 = arith.constant 0 : i32
    %dma_wait3A_255 = tpu.memref_slice %arg4[%dma_wait3A_243, %dma_wait3A_253, %dma_wait3A_254] : memref<2x32x512xi32, #tpu.memory_space<vmem>> -> memref<1x32x512xi32, #tpu.memory_space<vmem>>
    %dma_wait3A_256 = tpu.memref_squeeze %dma_wait3A_255 : memref<1x32x512xi32, #tpu.memory_space<vmem>> -> memref<32x512xi32, #tpu.memory_space<vmem>>
    %dma_wait3A_257 = arith.constant 0 : i32
    %dma_wait3A_258 = tpu.memref_slice %arg2[%add3A_192, %dma_wait3A_257] : memref<8192x512xi32, #tpu.memory_space<hbm>> -> memref<32x512xi32, #tpu.memory_space<hbm>>
    tpu.wait_dma2 semaphore(%dma_wait3A_252 : memref<!tpu.dma_semaphore, #tpu.memory_space<semaphore_mem>>) src(%dma_wait3A_258 : memref<32x512xi32, #tpu.memory_space<hbm>>) dst(%dma_wait3A_256 : memref<32x512xi32, #tpu.memory_space<vmem>>)
    %dma_wait3A_259 = arith.constant 1 : i32
    %dma_wait3A_260 = arith.constant 1 : i32
    %dma_wait3A_261 = arith.constant 0 : i32
    %dma_wait3A_262 = arith.constant 0 : i32
    %dma_wait3A_263 = tpu.memref_slice %arg4[%dma_wait3A_259, %dma_wait3A_261, %dma_wait3A_262] : memref<2x32x512xi32, #tpu.memory_space<vmem>> -> memref<1x32x512xi32, #tpu.memory_space<vmem>>
    %dma_wait3A_264 = tpu.memref_squeeze %dma_wait3A_263 : memref<1x32x512xi32, #tpu.memory_space<vmem>> -> memref<32x512xi32, #tpu.memory_space<vmem>>
    %dma_wait3A_265 = arith.constant 0 : i32
    %dma_wait3A_266 = tpu.memref_slice %arg2[%add3A_226, %dma_wait3A_265] : memref<8192x512xi32, #tpu.memory_space<hbm>> -> memref<32x512xi32, #tpu.memory_space<hbm>>
    %dma_wait3A_267 = tpu.memref_slice %arg7[%dma_wait3A_260] : memref<2x!tpu.dma_semaphore, #tpu.memory_space<semaphore_mem>> -> memref<1x!tpu.dma_semaphore, #tpu.memory_space<semaphore_mem>>
    %dma_wait3A_268 = tpu.memref_squeeze %dma_wait3A_267 : memref<1x!tpu.dma_semaphore, #tpu.memory_space<semaphore_mem>> -> memref<!tpu.dma_semaphore, #tpu.memory_space<semaphore_mem>>
    %dma_wait3A_269 = arith.constant 0 : i32
    %dma_wait3A_270 = arith.constant 0 : i32
    %dma_wait3A_271 = tpu.memref_slice %arg4[%dma_wait3A_259, %dma_wait3A_269, %dma_wait3A_270] : memref<2x32x512xi32, #tpu.memory_space<vmem>> -> memref<1x32x512xi32, #tpu.memory_space<vmem>>
    %dma_wait3A_272 = tpu.memref_squeeze %dma_wait3A_271 : memref<1x32x512xi32, #tpu.memory_space<vmem>> -> memref<32x512xi32, #tpu.memory_space<vmem>>
    %dma_wait3A_273 = arith.constant 0 : i32
    %dma_wait3A_274 = tpu.memref_slice %arg2[%add3A_226, %dma_wait3A_273] : memref<8192x512xi32, #tpu.memory_space<hbm>> -> memref<32x512xi32, #tpu.memory_space<hbm>>
    tpu.wait_dma2 semaphore(%dma_wait3A_268 : memref<!tpu.dma_semaphore, #tpu.memory_space<semaphore_mem>>) src(%dma_wait3A_274 : memref<32x512xi32, #tpu.memory_space<hbm>>) dst(%dma_wait3A_272 : memref<32x512xi32, #tpu.memory_space<vmem>>)
    %mul3A_275 = arith.constant 32 : i32
    %mul3A_276 = arith.muli %add3A, %mul3A_275 : i32
    "tpu.region"() ({
      %run_scoped3A = tpu.sem_alloc : memref<!tpu.dma_semaphore, #tpu.memory_space<semaphore_mem>>
      %dma_start3A_277 = arith.constant 0 : i32
      %dma_start3A_278 = tpu.memref_slice %arg3[%mul3A_276, %dma_start3A_277] : memref<1024x128xi32, #tpu.memory_space<hbm>> -> memref<32x128xi32, #tpu.memory_space<hbm>>
      %dma_start3A_279 = arith.constant 0 : i32
      %dma_start3A_280 = tpu.memref_slice %arg3[%mul3A_276, %dma_start3A_279] : memref<1024x128xi32, #tpu.memory_space<hbm>> -> memref<32x128xi32, #tpu.memory_space<hbm>>
      tpu.enqueue_dma source(%arg6 : memref<32x128xi32, #tpu.memory_space<vmem>>) target(%dma_start3A_280 : memref<32x128xi32, #tpu.memory_space<hbm>>) target_semaphore(%run_scoped3A : memref<!tpu.dma_semaphore, #tpu.memory_space<semaphore_mem>>)
      %dma_wait3A_281 = arith.constant 0 : i32
      %dma_wait3A_282 = tpu.memref_slice %arg3[%mul3A_276, %dma_wait3A_281] : memref<1024x128xi32, #tpu.memory_space<hbm>> -> memref<32x128xi32, #tpu.memory_space<hbm>>
      %dma_wait3A_283 = arith.constant 0 : i32
      %dma_wait3A_284 = tpu.memref_slice %arg3[%mul3A_276, %dma_wait3A_283] : memref<1024x128xi32, #tpu.memory_space<hbm>> -> memref<32x128xi32, #tpu.memory_space<hbm>>
      tpu.wait_dma2 semaphore(%run_scoped3A : memref<!tpu.dma_semaphore, #tpu.memory_space<semaphore_mem>>) src(%arg6 : memref<32x128xi32, #tpu.memory_space<vmem>>) dst(%dma_wait3A_284 : memref<32x128xi32, #tpu.memory_space<hbm>>)
      tpu.yield
    }) : () -> ()
    return
  }
}

#map = affine_map<(d0, d1) -> (0, 0)>
module attributes {stable_mosaic.version = 14 : i64} {
  func.func @_hist2_sc(%arg0: i32, %arg1: i32, %arg2: memref<8192x512xi32, #tpu.memory_space<hbm>>, %arg3: memref<8x128xi32, #tpu.memory_space<hbm>>, %arg4: memref<1024x128xi32, #tpu.memory_space<hbm>>, %arg5: memref<2x32x512xi32, #tpu.memory_space<vmem>>, %arg6: memref<65536xi32, #tpu.memory_space<vmem>>, %arg7: memref<32x128xi32, #tpu.memory_space<vmem>>, %arg8: memref<16xi32, #tpu.memory_space<vmem>>, %arg9: memref<2x!tpu.dma_semaphore, #tpu.memory_space<semaphore_mem>>) attributes {dimension_semantics = [#tpu.dimension_semantics<core_parallel>, #tpu.dimension_semantics<subcore_parallel>], iteration_bounds = array<i64: 2, 16>, scalar_prefetch = 0 : i64, scratch_operands = 5 : i64, tpu.core_type = #tpu.core_type<sc_vector_subcore>, window_params = [{transform_indices = #map}, {transform_indices = #map}, {transform_indices = #map}]} {
    %mul3A = arith.constant 2 : i32
    %mul3A_0 = arith.muli %arg1, %mul3A : i32
    %add3A = arith.addi %mul3A_0, %arg0 : i32
    %iota3A = tpu.iota {dimensions = array<i32: 0>} : vector<16xi32>
    %broadcast_in_dim3A = arith.constant 1 : i32
    %broadcast_in_dim3A_1 = vector.broadcast %broadcast_in_dim3A : i32 to vector<16xi32>
    %run_scoped3A = arith.constant 0 : i32
    "tpu.region"() ({
      %run_scoped3A_279 = tpu.sem_alloc : memref<!tpu.dma_semaphore, #tpu.memory_space<semaphore_mem>>
      %dma_start3A_280 = arith.constant 0 : i32
      %dma_start3A_281 = tpu.memref_slice %arg3[%run_scoped3A, %dma_start3A_280] : memref<8x128xi32, #tpu.memory_space<hbm>> -> memref<1x16xi32, #tpu.memory_space<hbm>>
      %dma_start3A_282 = tpu.memref_squeeze %dma_start3A_281 : memref<1x16xi32, #tpu.memory_space<hbm>> -> memref<16xi32, #tpu.memory_space<hbm>>
      %dma_start3A_283 = arith.constant 0 : i32
      %dma_start3A_284 = tpu.memref_slice %arg3[%run_scoped3A, %dma_start3A_283] : memref<8x128xi32, #tpu.memory_space<hbm>> -> memref<1x16xi32, #tpu.memory_space<hbm>>
      %dma_start3A_285 = tpu.memref_squeeze %dma_start3A_284 : memref<1x16xi32, #tpu.memory_space<hbm>> -> memref<16xi32, #tpu.memory_space<hbm>>
      tpu.enqueue_dma source(%dma_start3A_285 : memref<16xi32, #tpu.memory_space<hbm>>) target(%arg8 : memref<16xi32, #tpu.memory_space<vmem>>) target_semaphore(%run_scoped3A_279 : memref<!tpu.dma_semaphore, #tpu.memory_space<semaphore_mem>>)
      %dma_wait3A_286 = arith.constant 0 : i32
      %dma_wait3A_287 = tpu.memref_slice %arg3[%run_scoped3A, %dma_wait3A_286] : memref<8x128xi32, #tpu.memory_space<hbm>> -> memref<1x16xi32, #tpu.memory_space<hbm>>
      %dma_wait3A_288 = tpu.memref_squeeze %dma_wait3A_287 : memref<1x16xi32, #tpu.memory_space<hbm>> -> memref<16xi32, #tpu.memory_space<hbm>>
      %dma_wait3A_289 = arith.constant 0 : i32
      %dma_wait3A_290 = tpu.memref_slice %arg3[%run_scoped3A, %dma_wait3A_289] : memref<8x128xi32, #tpu.memory_space<hbm>> -> memref<1x16xi32, #tpu.memory_space<hbm>>
      %dma_wait3A_291 = tpu.memref_squeeze %dma_wait3A_290 : memref<1x16xi32, #tpu.memory_space<hbm>> -> memref<16xi32, #tpu.memory_space<hbm>>
      tpu.wait_dma2 semaphore(%run_scoped3A_279 : memref<!tpu.dma_semaphore, #tpu.memory_space<semaphore_mem>>) src(%dma_wait3A_291 : memref<16xi32, #tpu.memory_space<hbm>>) dst(%arg8 : memref<16xi32, #tpu.memory_space<vmem>>)
      tpu.yield
    }) : () -> ()
    %broadcast_in_dim3A_2 = arith.constant 0 : i32
    %broadcast_in_dim3A_3 = vector.broadcast %broadcast_in_dim3A_2 : i32 to vector<16xi32>
    %gather3A = tpu.vector_load_idx %arg8[%broadcast_in_dim3A_3] : memref<16xi32, #tpu.memory_space<vmem>>[vector<16xi32>], vector<16xi32>,
    %mul3A_4 = arith.constant 256 : i32
    %mul3A_5 = arith.muli %add3A, %mul3A_4 : i32
    %iota3A_6 = tpu.iota {dimensions = array<i32: 0>} : vector<16xi32>
    %broadcast_in_dim3A_7 = arith.constant 0 : i32
    %broadcast_in_dim3A_8 = vector.broadcast %broadcast_in_dim3A_7 : i32 to vector<16xi32>
    %dma_start3A = arith.constant 0 : i32
    %dma_start3A_9 = arith.constant 0 : i32
    %dma_start3A_10 = arith.constant 0 : i32
    %dma_start3A_11 = arith.constant 0 : i32
    %dma_start3A_12 = tpu.memref_slice %arg5[%dma_start3A, %dma_start3A_10, %dma_start3A_11] : memref<2x32x512xi32, #tpu.memory_space<vmem>> -> memref<1x32x512xi32, #tpu.memory_space<vmem>>
    %dma_start3A_13 = tpu.memref_squeeze %dma_start3A_12 : memref<1x32x512xi32, #tpu.memory_space<vmem>> -> memref<32x512xi32, #tpu.memory_space<vmem>>
    %dma_start3A_14 = arith.constant 0 : i32
    %dma_start3A_15 = tpu.memref_slice %arg2[%mul3A_5, %dma_start3A_14] : memref<8192x512xi32, #tpu.memory_space<hbm>> -> memref<32x512xi32, #tpu.memory_space<hbm>>
    %dma_start3A_16 = tpu.memref_slice %arg9[%dma_start3A_9] : memref<2x!tpu.dma_semaphore, #tpu.memory_space<semaphore_mem>> -> memref<1x!tpu.dma_semaphore, #tpu.memory_space<semaphore_mem>>
    %dma_start3A_17 = tpu.memref_squeeze %dma_start3A_16 : memref<1x!tpu.dma_semaphore, #tpu.memory_space<semaphore_mem>> -> memref<!tpu.dma_semaphore, #tpu.memory_space<semaphore_mem>>
    %dma_start3A_18 = arith.constant 0 : i32
    %dma_start3A_19 = arith.constant 0 : i32
    %dma_start3A_20 = tpu.memref_slice %arg5[%dma_start3A, %dma_start3A_18, %dma_start3A_19] : memref<2x32x512xi32, #tpu.memory_space<vmem>> -> memref<1x32x512xi32, #tpu.memory_space<vmem>>
    %dma_start3A_21 = tpu.memref_squeeze %dma_start3A_20 : memref<1x32x512xi32, #tpu.memory_space<vmem>> -> memref<32x512xi32, #tpu.memory_space<vmem>>
    %dma_start3A_22 = arith.constant 0 : i32
    %dma_start3A_23 = tpu.memref_slice %arg2[%mul3A_5, %dma_start3A_22] : memref<8192x512xi32, #tpu.memory_space<hbm>> -> memref<32x512xi32, #tpu.memory_space<hbm>>
    tpu.enqueue_dma source(%dma_start3A_23 : memref<32x512xi32, #tpu.memory_space<hbm>>) target(%dma_start3A_21 : memref<32x512xi32, #tpu.memory_space<vmem>>) target_semaphore(%dma_start3A_17 : memref<!tpu.dma_semaphore, #tpu.memory_space<semaphore_mem>>)
    %add3A_24 = arith.constant 32 : i32
    %add3A_25 = arith.addi %mul3A_5, %add3A_24 : i32
    %dma_start3A_26 = arith.constant 1 : i32
    %dma_start3A_27 = arith.constant 1 : i32
    %dma_start3A_28 = arith.constant 0 : i32
    %dma_start3A_29 = arith.constant 0 : i32
    %dma_start3A_30 = tpu.memref_slice %arg5[%dma_start3A_26, %dma_start3A_28, %dma_start3A_29] : memref<2x32x512xi32, #tpu.memory_space<vmem>> -> memref<1x32x512xi32, #tpu.memory_space<vmem>>
    %dma_start3A_31 = tpu.memref_squeeze %dma_start3A_30 : memref<1x32x512xi32, #tpu.memory_space<vmem>> -> memref<32x512xi32, #tpu.memory_space<vmem>>
    %dma_start3A_32 = arith.constant 0 : i32
    %dma_start3A_33 = tpu.memref_slice %arg2[%add3A_25, %dma_start3A_32] : memref<8192x512xi32, #tpu.memory_space<hbm>> -> memref<32x512xi32, #tpu.memory_space<hbm>>
    %dma_start3A_34 = tpu.memref_slice %arg9[%dma_start3A_27] : memref<2x!tpu.dma_semaphore, #tpu.memory_space<semaphore_mem>> -> memref<1x!tpu.dma_semaphore, #tpu.memory_space<semaphore_mem>>
    %dma_start3A_35 = tpu.memref_squeeze %dma_start3A_34 : memref<1x!tpu.dma_semaphore, #tpu.memory_space<semaphore_mem>> -> memref<!tpu.dma_semaphore, #tpu.memory_space<semaphore_mem>>
    %dma_start3A_36 = arith.constant 0 : i32
    %dma_start3A_37 = arith.constant 0 : i32
    %dma_start3A_38 = tpu.memref_slice %arg5[%dma_start3A_26, %dma_start3A_36, %dma_start3A_37] : memref<2x32x512xi32, #tpu.memory_space<vmem>> -> memref<1x32x512xi32, #tpu.memory_space<vmem>>
    %dma_start3A_39 = tpu.memref_squeeze %dma_start3A_38 : memref<1x32x512xi32, #tpu.memory_space<vmem>> -> memref<32x512xi32, #tpu.memory_space<vmem>>
    %dma_start3A_40 = arith.constant 0 : i32
    %dma_start3A_41 = tpu.memref_slice %arg2[%add3A_25, %dma_start3A_40] : memref<8192x512xi32, #tpu.memory_space<hbm>> -> memref<32x512xi32, #tpu.memory_space<hbm>>
    tpu.enqueue_dma source(%dma_start3A_41 : memref<32x512xi32, #tpu.memory_space<hbm>>) target(%dma_start3A_39 : memref<32x512xi32, #tpu.memory_space<vmem>>) target_semaphore(%dma_start3A_35 : memref<!tpu.dma_semaphore, #tpu.memory_space<semaphore_mem>>)
    %dma_wait3A = arith.constant 0 : i32
    %dma_wait3A_42 = arith.constant 0 : i32
    %dma_wait3A_43 = arith.constant 0 : i32
    %dma_wait3A_44 = arith.constant 0 : i32
    %dma_wait3A_45 = tpu.memref_slice %arg5[%dma_wait3A, %dma_wait3A_43, %dma_wait3A_44] : memref<2x32x512xi32, #tpu.memory_space<vmem>> -> memref<1x32x512xi32, #tpu.memory_space<vmem>>
    %dma_wait3A_46 = tpu.memref_squeeze %dma_wait3A_45 : memref<1x32x512xi32, #tpu.memory_space<vmem>> -> memref<32x512xi32, #tpu.memory_space<vmem>>
    %dma_wait3A_47 = arith.constant 0 : i32
    %dma_wait3A_48 = tpu.memref_slice %arg2[%mul3A_5, %dma_wait3A_47] : memref<8192x512xi32, #tpu.memory_space<hbm>> -> memref<32x512xi32, #tpu.memory_space<hbm>>
    %dma_wait3A_49 = tpu.memref_slice %arg9[%dma_wait3A_42] : memref<2x!tpu.dma_semaphore, #tpu.memory_space<semaphore_mem>> -> memref<1x!tpu.dma_semaphore, #tpu.memory_space<semaphore_mem>>
    %dma_wait3A_50 = tpu.memref_squeeze %dma_wait3A_49 : memref<1x!tpu.dma_semaphore, #tpu.memory_space<semaphore_mem>> -> memref<!tpu.dma_semaphore, #tpu.memory_space<semaphore_mem>>
    %dma_wait3A_51 = arith.constant 0 : i32
    %dma_wait3A_52 = arith.constant 0 : i32
    %dma_wait3A_53 = tpu.memref_slice %arg5[%dma_wait3A, %dma_wait3A_51, %dma_wait3A_52] : memref<2x32x512xi32, #tpu.memory_space<vmem>> -> memref<1x32x512xi32, #tpu.memory_space<vmem>>
    %dma_wait3A_54 = tpu.memref_squeeze %dma_wait3A_53 : memref<1x32x512xi32, #tpu.memory_space<vmem>> -> memref<32x512xi32, #tpu.memory_space<vmem>>
    %dma_wait3A_55 = arith.constant 0 : i32
    %dma_wait3A_56 = tpu.memref_slice %arg2[%mul3A_5, %dma_wait3A_55] : memref<8192x512xi32, #tpu.memory_space<hbm>> -> memref<32x512xi32, #tpu.memory_space<hbm>>
    tpu.wait_dma2 semaphore(%dma_wait3A_50 : memref<!tpu.dma_semaphore, #tpu.memory_space<semaphore_mem>>) src(%dma_wait3A_56 : memref<32x512xi32, #tpu.memory_space<hbm>>) dst(%dma_wait3A_54 : memref<32x512xi32, #tpu.memory_space<vmem>>)
    %add3A_57 = arith.constant 64 : i32
    %add3A_58 = arith.addi %mul3A_5, %add3A_57 : i32
    %dma_start3A_59 = arith.constant 0 : i32
    %dma_start3A_60 = arith.constant 0 : i32
    %dma_start3A_61 = arith.constant 0 : i32
    %dma_start3A_62 = arith.constant 0 : i32
    %dma_start3A_63 = tpu.memref_slice %arg5[%dma_start3A_59, %dma_start3A_61, %dma_start3A_62] : memref<2x32x512xi32, #tpu.memory_space<vmem>> -> memref<1x32x512xi32, #tpu.memory_space<vmem>>
    %dma_start3A_64 = tpu.memref_squeeze %dma_start3A_63 : memref<1x32x512xi32, #tpu.memory_space<vmem>> -> memref<32x512xi32, #tpu.memory_space<vmem>>
    %dma_start3A_65 = arith.constant 0 : i32
    %dma_start3A_66 = tpu.memref_slice %arg2[%add3A_58, %dma_start3A_65] : memref<8192x512xi32, #tpu.memory_space<hbm>> -> memref<32x512xi32, #tpu.memory_space<hbm>>
    %dma_start3A_67 = tpu.memref_slice %arg9[%dma_start3A_60] : memref<2x!tpu.dma_semaphore, #tpu.memory_space<semaphore_mem>> -> memref<1x!tpu.dma_semaphore, #tpu.memory_space<semaphore_mem>>
    %dma_start3A_68 = tpu.memref_squeeze %dma_start3A_67 : memref<1x!tpu.dma_semaphore, #tpu.memory_space<semaphore_mem>> -> memref<!tpu.dma_semaphore, #tpu.memory_space<semaphore_mem>>
    %dma_start3A_69 = arith.constant 0 : i32
    %dma_start3A_70 = arith.constant 0 : i32
    %dma_start3A_71 = tpu.memref_slice %arg5[%dma_start3A_59, %dma_start3A_69, %dma_start3A_70] : memref<2x32x512xi32, #tpu.memory_space<vmem>> -> memref<1x32x512xi32, #tpu.memory_space<vmem>>
    %dma_start3A_72 = tpu.memref_squeeze %dma_start3A_71 : memref<1x32x512xi32, #tpu.memory_space<vmem>> -> memref<32x512xi32, #tpu.memory_space<vmem>>
    %dma_start3A_73 = arith.constant 0 : i32
    %dma_start3A_74 = tpu.memref_slice %arg2[%add3A_58, %dma_start3A_73] : memref<8192x512xi32, #tpu.memory_space<hbm>> -> memref<32x512xi32, #tpu.memory_space<hbm>>
    tpu.enqueue_dma source(%dma_start3A_74 : memref<32x512xi32, #tpu.memory_space<hbm>>) target(%dma_start3A_72 : memref<32x512xi32, #tpu.memory_space<vmem>>) target_semaphore(%dma_start3A_68 : memref<!tpu.dma_semaphore, #tpu.memory_space<semaphore_mem>>)
    %dma_wait3A_75 = arith.constant 1 : i32
    %dma_wait3A_76 = arith.constant 1 : i32
    %dma_wait3A_77 = arith.constant 0 : i32
    %dma_wait3A_78 = arith.constant 0 : i32
    %dma_wait3A_79 = tpu.memref_slice %arg5[%dma_wait3A_75, %dma_wait3A_77, %dma_wait3A_78] : memref<2x32x512xi32, #tpu.memory_space<vmem>> -> memref<1x32x512xi32, #tpu.memory_space<vmem>>
    %dma_wait3A_80 = tpu.memref_squeeze %dma_wait3A_79 : memref<1x32x512xi32, #tpu.memory_space<vmem>> -> memref<32x512xi32, #tpu.memory_space<vmem>>
    %dma_wait3A_81 = arith.constant 0 : i32
    %dma_wait3A_82 = tpu.memref_slice %arg2[%add3A_25, %dma_wait3A_81] : memref<8192x512xi32, #tpu.memory_space<hbm>> -> memref<32x512xi32, #tpu.memory_space<hbm>>
    %dma_wait3A_83 = tpu.memref_slice %arg9[%dma_wait3A_76] : memref<2x!tpu.dma_semaphore, #tpu.memory_space<semaphore_mem>> -> memref<1x!tpu.dma_semaphore, #tpu.memory_space<semaphore_mem>>
    %dma_wait3A_84 = tpu.memref_squeeze %dma_wait3A_83 : memref<1x!tpu.dma_semaphore, #tpu.memory_space<semaphore_mem>> -> memref<!tpu.dma_semaphore, #tpu.memory_space<semaphore_mem>>
    %dma_wait3A_85 = arith.constant 0 : i32
    %dma_wait3A_86 = arith.constant 0 : i32
    %dma_wait3A_87 = tpu.memref_slice %arg5[%dma_wait3A_75, %dma_wait3A_85, %dma_wait3A_86] : memref<2x32x512xi32, #tpu.memory_space<vmem>> -> memref<1x32x512xi32, #tpu.memory_space<vmem>>
    %dma_wait3A_88 = tpu.memref_squeeze %dma_wait3A_87 : memref<1x32x512xi32, #tpu.memory_space<vmem>> -> memref<32x512xi32, #tpu.memory_space<vmem>>
    %dma_wait3A_89 = arith.constant 0 : i32
    %dma_wait3A_90 = tpu.memref_slice %arg2[%add3A_25, %dma_wait3A_89] : memref<8192x512xi32, #tpu.memory_space<hbm>> -> memref<32x512xi32, #tpu.memory_space<hbm>>
    tpu.wait_dma2 semaphore(%dma_wait3A_84 : memref<!tpu.dma_semaphore, #tpu.memory_space<semaphore_mem>>) src(%dma_wait3A_90 : memref<32x512xi32, #tpu.memory_space<hbm>>) dst(%dma_wait3A_88 : memref<32x512xi32, #tpu.memory_space<vmem>>)
    %add3A_91 = arith.constant 96 : i32
    %add3A_92 = arith.addi %mul3A_5, %add3A_91 : i32
    %dma_start3A_93 = arith.constant 1 : i32
    %dma_start3A_94 = arith.constant 1 : i32
    %dma_start3A_95 = arith.constant 0 : i32
    %dma_start3A_96 = arith.constant 0 : i32
    %dma_start3A_97 = tpu.memref_slice %arg5[%dma_start3A_93, %dma_start3A_95, %dma_start3A_96] : memref<2x32x512xi32, #tpu.memory_space<vmem>> -> memref<1x32x512xi32, #tpu.memory_space<vmem>>
    %dma_start3A_98 = tpu.memref_squeeze %dma_start3A_97 : memref<1x32x512xi32, #tpu.memory_space<vmem>> -> memref<32x512xi32, #tpu.memory_space<vmem>>
    %dma_start3A_99 = arith.constant 0 : i32
    %dma_start3A_100 = tpu.memref_slice %arg2[%add3A_92, %dma_start3A_99] : memref<8192x512xi32, #tpu.memory_space<hbm>> -> memref<32x512xi32, #tpu.memory_space<hbm>>
    %dma_start3A_101 = tpu.memref_slice %arg9[%dma_start3A_94] : memref<2x!tpu.dma_semaphore, #tpu.memory_space<semaphore_mem>> -> memref<1x!tpu.dma_semaphore, #tpu.memory_space<semaphore_mem>>
    %dma_start3A_102 = tpu.memref_squeeze %dma_start3A_101 : memref<1x!tpu.dma_semaphore, #tpu.memory_space<semaphore_mem>> -> memref<!tpu.dma_semaphore, #tpu.memory_space<semaphore_mem>>
    %dma_start3A_103 = arith.constant 0 : i32
    %dma_start3A_104 = arith.constant 0 : i32
    %dma_start3A_105 = tpu.memref_slice %arg5[%dma_start3A_93, %dma_start3A_103, %dma_start3A_104] : memref<2x32x512xi32, #tpu.memory_space<vmem>> -> memref<1x32x512xi32, #tpu.memory_space<vmem>>
    %dma_start3A_106 = tpu.memref_squeeze %dma_start3A_105 : memref<1x32x512xi32, #tpu.memory_space<vmem>> -> memref<32x512xi32, #tpu.memory_space<vmem>>
    %dma_start3A_107 = arith.constant 0 : i32
    %dma_start3A_108 = tpu.memref_slice %arg2[%add3A_92, %dma_start3A_107] : memref<8192x512xi32, #tpu.memory_space<hbm>> -> memref<32x512xi32, #tpu.memory_space<hbm>>
    tpu.enqueue_dma source(%dma_start3A_108 : memref<32x512xi32, #tpu.memory_space<hbm>>) target(%dma_start3A_106 : memref<32x512xi32, #tpu.memory_space<vmem>>) target_semaphore(%dma_start3A_102 : memref<!tpu.dma_semaphore, #tpu.memory_space<semaphore_mem>>)
    %dma_wait3A_109 = arith.constant 0 : i32
    %dma_wait3A_110 = arith.constant 0 : i32
    %dma_wait3A_111 = arith.constant 0 : i32
    %dma_wait3A_112 = arith.constant 0 : i32
    %dma_wait3A_113 = tpu.memref_slice %arg5[%dma_wait3A_109, %dma_wait3A_111, %dma_wait3A_112] : memref<2x32x512xi32, #tpu.memory_space<vmem>> -> memref<1x32x512xi32, #tpu.memory_space<vmem>>
    %dma_wait3A_114 = tpu.memref_squeeze %dma_wait3A_113 : memref<1x32x512xi32, #tpu.memory_space<vmem>> -> memref<32x512xi32, #tpu.memory_space<vmem>>
    %dma_wait3A_115 = arith.constant 0 : i32
    %dma_wait3A_116 = tpu.memref_slice %arg2[%add3A_58, %dma_wait3A_115] : memref<8192x512xi32, #tpu.memory_space<hbm>> -> memref<32x512xi32, #tpu.memory_space<hbm>>
    %dma_wait3A_117 = tpu.memref_slice %arg9[%dma_wait3A_110] : memref<2x!tpu.dma_semaphore, #tpu.memory_space<semaphore_mem>> -> memref<1x!tpu.dma_semaphore, #tpu.memory_space<semaphore_mem>>
    %dma_wait3A_118 = tpu.memref_squeeze %dma_wait3A_117 : memref<1x!tpu.dma_semaphore, #tpu.memory_space<semaphore_mem>> -> memref<!tpu.dma_semaphore, #tpu.memory_space<semaphore_mem>>
    %dma_wait3A_119 = arith.constant 0 : i32
    %dma_wait3A_120 = arith.constant 0 : i32
    %dma_wait3A_121 = tpu.memref_slice %arg5[%dma_wait3A_109, %dma_wait3A_119, %dma_wait3A_120] : memref<2x32x512xi32, #tpu.memory_space<vmem>> -> memref<1x32x512xi32, #tpu.memory_space<vmem>>
    %dma_wait3A_122 = tpu.memref_squeeze %dma_wait3A_121 : memref<1x32x512xi32, #tpu.memory_space<vmem>> -> memref<32x512xi32, #tpu.memory_space<vmem>>
    %dma_wait3A_123 = arith.constant 0 : i32
    %dma_wait3A_124 = tpu.memref_slice %arg2[%add3A_58, %dma_wait3A_123] : memref<8192x512xi32, #tpu.memory_space<hbm>> -> memref<32x512xi32, #tpu.memory_space<hbm>>
    tpu.wait_dma2 semaphore(%dma_wait3A_118 : memref<!tpu.dma_semaphore, #tpu.memory_space<semaphore_mem>>) src(%dma_wait3A_124 : memref<32x512xi32, #tpu.memory_space<hbm>>) dst(%dma_wait3A_122 : memref<32x512xi32, #tpu.memory_space<vmem>>)
    %add3A_125 = arith.constant 128 : i32
    %add3A_126 = arith.addi %mul3A_5, %add3A_125 : i32
    %dma_start3A_127 = arith.constant 0 : i32
    %dma_start3A_128 = arith.constant 0 : i32
    %dma_start3A_129 = arith.constant 0 : i32
    %dma_start3A_130 = arith.constant 0 : i32
    %dma_start3A_131 = tpu.memref_slice %arg5[%dma_start3A_127, %dma_start3A_129, %dma_start3A_130] : memref<2x32x512xi32, #tpu.memory_space<vmem>> -> memref<1x32x512xi32, #tpu.memory_space<vmem>>
    %dma_start3A_132 = tpu.memref_squeeze %dma_start3A_131 : memref<1x32x512xi32, #tpu.memory_space<vmem>> -> memref<32x512xi32, #tpu.memory_space<vmem>>
    %dma_start3A_133 = arith.constant 0 : i32
    %dma_start3A_134 = tpu.memref_slice %arg2[%add3A_126, %dma_start3A_133] : memref<8192x512xi32, #tpu.memory_space<hbm>> -> memref<32x512xi32, #tpu.memory_space<hbm>>
    %dma_start3A_135 = tpu.memref_slice %arg9[%dma_start3A_128] : memref<2x!tpu.dma_semaphore, #tpu.memory_space<semaphore_mem>> -> memref<1x!tpu.dma_semaphore, #tpu.memory_space<semaphore_mem>>
    %dma_start3A_136 = tpu.memref_squeeze %dma_start3A_135 : memref<1x!tpu.dma_semaphore, #tpu.memory_space<semaphore_mem>> -> memref<!tpu.dma_semaphore, #tpu.memory_space<semaphore_mem>>
    %dma_start3A_137 = arith.constant 0 : i32
    %dma_start3A_138 = arith.constant 0 : i32
    %dma_start3A_139 = tpu.memref_slice %arg5[%dma_start3A_127, %dma_start3A_137, %dma_start3A_138] : memref<2x32x512xi32, #tpu.memory_space<vmem>> -> memref<1x32x512xi32, #tpu.memory_space<vmem>>
    %dma_start3A_140 = tpu.memref_squeeze %dma_start3A_139 : memref<1x32x512xi32, #tpu.memory_space<vmem>> -> memref<32x512xi32, #tpu.memory_space<vmem>>
    %dma_start3A_141 = arith.constant 0 : i32
    %dma_start3A_142 = tpu.memref_slice %arg2[%add3A_126, %dma_start3A_141] : memref<8192x512xi32, #tpu.memory_space<hbm>> -> memref<32x512xi32, #tpu.memory_space<hbm>>
    tpu.enqueue_dma source(%dma_start3A_142 : memref<32x512xi32, #tpu.memory_space<hbm>>) target(%dma_start3A_140 : memref<32x512xi32, #tpu.memory_space<vmem>>) target_semaphore(%dma_start3A_136 : memref<!tpu.dma_semaphore, #tpu.memory_space<semaphore_mem>>)
    %dma_wait3A_143 = arith.constant 1 : i32
    %dma_wait3A_144 = arith.constant 1 : i32
    %dma_wait3A_145 = arith.constant 0 : i32
    %dma_wait3A_146 = arith.constant 0 : i32
    %dma_wait3A_147 = tpu.memref_slice %arg5[%dma_wait3A_143, %dma_wait3A_145, %dma_wait3A_146] : memref<2x32x512xi32, #tpu.memory_space<vmem>> -> memref<1x32x512xi32, #tpu.memory_space<vmem>>
    %dma_wait3A_148 = tpu.memref_squeeze %dma_wait3A_147 : memref<1x32x512xi32, #tpu.memory_space<vmem>> -> memref<32x512xi32, #tpu.memory_space<vmem>>
    %dma_wait3A_149 = arith.constant 0 : i32
    %dma_wait3A_150 = tpu.memref_slice %arg2[%add3A_92, %dma_wait3A_149] : memref<8192x512xi32, #tpu.memory_space<hbm>> -> memref<32x512xi32, #tpu.memory_space<hbm>>
    %dma_wait3A_151 = tpu.memref_slice %arg9[%dma_wait3A_144] : memref<2x!tpu.dma_semaphore, #tpu.memory_space<semaphore_mem>> -> memref<1x!tpu.dma_semaphore, #tpu.memory_space<semaphore_mem>>
    %dma_wait3A_152 = tpu.memref_squeeze %dma_wait3A_151 : memref<1x!tpu.dma_semaphore, #tpu.memory_space<semaphore_mem>> -> memref<!tpu.dma_semaphore, #tpu.memory_space<semaphore_mem>>
    %dma_wait3A_153 = arith.constant 0 : i32
    %dma_wait3A_154 = arith.constant 0 : i32
    %dma_wait3A_155 = tpu.memref_slice %arg5[%dma_wait3A_143, %dma_wait3A_153, %dma_wait3A_154] : memref<2x32x512xi32, #tpu.memory_space<vmem>> -> memref<1x32x512xi32, #tpu.memory_space<vmem>>
    %dma_wait3A_156 = tpu.memref_squeeze %dma_wait3A_155 : memref<1x32x512xi32, #tpu.memory_space<vmem>> -> memref<32x512xi32, #tpu.memory_space<vmem>>
    %dma_wait3A_157 = arith.constant 0 : i32
    %dma_wait3A_158 = tpu.memref_slice %arg2[%add3A_92, %dma_wait3A_157] : memref<8192x512xi32, #tpu.memory_space<hbm>> -> memref<32x512xi32, #tpu.memory_space<hbm>>
    tpu.wait_dma2 semaphore(%dma_wait3A_152 : memref<!tpu.dma_semaphore, #tpu.memory_space<semaphore_mem>>) src(%dma_wait3A_158 : memref<32x512xi32, #tpu.memory_space<hbm>>) dst(%dma_wait3A_156 : memref<32x512xi32, #tpu.memory_space<vmem>>)
    %add3A_159 = arith.constant 160 : i32
    %add3A_160 = arith.addi %mul3A_5, %add3A_159 : i32
    %dma_start3A_161 = arith.constant 1 : i32
    %dma_start3A_162 = arith.constant 1 : i32
    %dma_start3A_163 = arith.constant 0 : i32
    %dma_start3A_164 = arith.constant 0 : i32
    %dma_start3A_165 = tpu.memref_slice %arg5[%dma_start3A_161, %dma_start3A_163, %dma_start3A_164] : memref<2x32x512xi32, #tpu.memory_space<vmem>> -> memref<1x32x512xi32, #tpu.memory_space<vmem>>
    %dma_start3A_166 = tpu.memref_squeeze %dma_start3A_165 : memref<1x32x512xi32, #tpu.memory_space<vmem>> -> memref<32x512xi32, #tpu.memory_space<vmem>>
    %dma_start3A_167 = arith.constant 0 : i32
    %dma_start3A_168 = tpu.memref_slice %arg2[%add3A_160, %dma_start3A_167] : memref<8192x512xi32, #tpu.memory_space<hbm>> -> memref<32x512xi32, #tpu.memory_space<hbm>>
    %dma_start3A_169 = tpu.memref_slice %arg9[%dma_start3A_162] : memref<2x!tpu.dma_semaphore, #tpu.memory_space<semaphore_mem>> -> memref<1x!tpu.dma_semaphore, #tpu.memory_space<semaphore_mem>>
    %dma_start3A_170 = tpu.memref_squeeze %dma_start3A_169 : memref<1x!tpu.dma_semaphore, #tpu.memory_space<semaphore_mem>> -> memref<!tpu.dma_semaphore, #tpu.memory_space<semaphore_mem>>
    %dma_start3A_171 = arith.constant 0 : i32
    %dma_start3A_172 = arith.constant 0 : i32
    %dma_start3A_173 = tpu.memref_slice %arg5[%dma_start3A_161, %dma_start3A_171, %dma_start3A_172] : memref<2x32x512xi32, #tpu.memory_space<vmem>> -> memref<1x32x512xi32, #tpu.memory_space<vmem>>
    %dma_start3A_174 = tpu.memref_squeeze %dma_start3A_173 : memref<1x32x512xi32, #tpu.memory_space<vmem>> -> memref<32x512xi32, #tpu.memory_space<vmem>>
    %dma_start3A_175 = arith.constant 0 : i32
    %dma_start3A_176 = tpu.memref_slice %arg2[%add3A_160, %dma_start3A_175] : memref<8192x512xi32, #tpu.memory_space<hbm>> -> memref<32x512xi32, #tpu.memory_space<hbm>>
    tpu.enqueue_dma source(%dma_start3A_176 : memref<32x512xi32, #tpu.memory_space<hbm>>) target(%dma_start3A_174 : memref<32x512xi32, #tpu.memory_space<vmem>>) target_semaphore(%dma_start3A_170 : memref<!tpu.dma_semaphore, #tpu.memory_space<semaphore_mem>>)
    %dma_wait3A_177 = arith.constant 0 : i32
    %dma_wait3A_178 = arith.constant 0 : i32
    %dma_wait3A_179 = arith.constant 0 : i32
    %dma_wait3A_180 = arith.constant 0 : i32
    %dma_wait3A_181 = tpu.memref_slice %arg5[%dma_wait3A_177, %dma_wait3A_179, %dma_wait3A_180] : memref<2x32x512xi32, #tpu.memory_space<vmem>> -> memref<1x32x512xi32, #tpu.memory_space<vmem>>
    %dma_wait3A_182 = tpu.memref_squeeze %dma_wait3A_181 : memref<1x32x512xi32, #tpu.memory_space<vmem>> -> memref<32x512xi32, #tpu.memory_space<vmem>>
    %dma_wait3A_183 = arith.constant 0 : i32
    %dma_wait3A_184 = tpu.memref_slice %arg2[%add3A_126, %dma_wait3A_183] : memref<8192x512xi32, #tpu.memory_space<hbm>> -> memref<32x512xi32, #tpu.memory_space<hbm>>
    %dma_wait3A_185 = tpu.memref_slice %arg9[%dma_wait3A_178] : memref<2x!tpu.dma_semaphore, #tpu.memory_space<semaphore_mem>> -> memref<1x!tpu.dma_semaphore, #tpu.memory_space<semaphore_mem>>
    %dma_wait3A_186 = tpu.memref_squeeze %dma_wait3A_185 : memref<1x!tpu.dma_semaphore, #tpu.memory_space<semaphore_mem>> -> memref<!tpu.dma_semaphore, #tpu.memory_space<semaphore_mem>>
    %dma_wait3A_187 = arith.constant 0 : i32
    %dma_wait3A_188 = arith.constant 0 : i32
    %dma_wait3A_189 = tpu.memref_slice %arg5[%dma_wait3A_177, %dma_wait3A_187, %dma_wait3A_188] : memref<2x32x512xi32, #tpu.memory_space<vmem>> -> memref<1x32x512xi32, #tpu.memory_space<vmem>>
    %dma_wait3A_190 = tpu.memref_squeeze %dma_wait3A_189 : memref<1x32x512xi32, #tpu.memory_space<vmem>> -> memref<32x512xi32, #tpu.memory_space<vmem>>
    %dma_wait3A_191 = arith.constant 0 : i32
    %dma_wait3A_192 = tpu.memref_slice %arg2[%add3A_126, %dma_wait3A_191] : memref<8192x512xi32, #tpu.memory_space<hbm>> -> memref<32x512xi32, #tpu.memory_space<hbm>>
    tpu.wait_dma2 semaphore(%dma_wait3A_186 : memref<!tpu.dma_semaphore, #tpu.memory_space<semaphore_mem>>) src(%dma_wait3A_192 : memref<32x512xi32, #tpu.memory_space<hbm>>) dst(%dma_wait3A_190 : memref<32x512xi32, #tpu.memory_space<vmem>>)
    %add3A_193 = arith.constant 192 : i32
    %add3A_194 = arith.addi %mul3A_5, %add3A_193 : i32
    %dma_start3A_195 = arith.constant 0 : i32
    %dma_start3A_196 = arith.constant 0 : i32
    %dma_start3A_197 = arith.constant 0 : i32
    %dma_start3A_198 = arith.constant 0 : i32
    %dma_start3A_199 = tpu.memref_slice %arg5[%dma_start3A_195, %dma_start3A_197, %dma_start3A_198] : memref<2x32x512xi32, #tpu.memory_space<vmem>> -> memref<1x32x512xi32, #tpu.memory_space<vmem>>
    %dma_start3A_200 = tpu.memref_squeeze %dma_start3A_199 : memref<1x32x512xi32, #tpu.memory_space<vmem>> -> memref<32x512xi32, #tpu.memory_space<vmem>>
    %dma_start3A_201 = arith.constant 0 : i32
    %dma_start3A_202 = tpu.memref_slice %arg2[%add3A_194, %dma_start3A_201] : memref<8192x512xi32, #tpu.memory_space<hbm>> -> memref<32x512xi32, #tpu.memory_space<hbm>>
    %dma_start3A_203 = tpu.memref_slice %arg9[%dma_start3A_196] : memref<2x!tpu.dma_semaphore, #tpu.memory_space<semaphore_mem>> -> memref<1x!tpu.dma_semaphore, #tpu.memory_space<semaphore_mem>>
    %dma_start3A_204 = tpu.memref_squeeze %dma_start3A_203 : memref<1x!tpu.dma_semaphore, #tpu.memory_space<semaphore_mem>> -> memref<!tpu.dma_semaphore, #tpu.memory_space<semaphore_mem>>
    %dma_start3A_205 = arith.constant 0 : i32
    %dma_start3A_206 = arith.constant 0 : i32
    %dma_start3A_207 = tpu.memref_slice %arg5[%dma_start3A_195, %dma_start3A_205, %dma_start3A_206] : memref<2x32x512xi32, #tpu.memory_space<vmem>> -> memref<1x32x512xi32, #tpu.memory_space<vmem>>
    %dma_start3A_208 = tpu.memref_squeeze %dma_start3A_207 : memref<1x32x512xi32, #tpu.memory_space<vmem>> -> memref<32x512xi32, #tpu.memory_space<vmem>>
    %dma_start3A_209 = arith.constant 0 : i32
    %dma_start3A_210 = tpu.memref_slice %arg2[%add3A_194, %dma_start3A_209] : memref<8192x512xi32, #tpu.memory_space<hbm>> -> memref<32x512xi32, #tpu.memory_space<hbm>>
    tpu.enqueue_dma source(%dma_start3A_210 : memref<32x512xi32, #tpu.memory_space<hbm>>) target(%dma_start3A_208 : memref<32x512xi32, #tpu.memory_space<vmem>>) target_semaphore(%dma_start3A_204 : memref<!tpu.dma_semaphore, #tpu.memory_space<semaphore_mem>>)
    %dma_wait3A_211 = arith.constant 1 : i32
    %dma_wait3A_212 = arith.constant 1 : i32
    %dma_wait3A_213 = arith.constant 0 : i32
    %dma_wait3A_214 = arith.constant 0 : i32
    %dma_wait3A_215 = tpu.memref_slice %arg5[%dma_wait3A_211, %dma_wait3A_213, %dma_wait3A_214] : memref<2x32x512xi32, #tpu.memory_space<vmem>> -> memref<1x32x512xi32, #tpu.memory_space<vmem>>
    %dma_wait3A_216 = tpu.memref_squeeze %dma_wait3A_215 : memref<1x32x512xi32, #tpu.memory_space<vmem>> -> memref<32x512xi32, #tpu.memory_space<vmem>>
    %dma_wait3A_217 = arith.constant 0 : i32
    %dma_wait3A_218 = tpu.memref_slice %arg2[%add3A_160, %dma_wait3A_217] : memref<8192x512xi32, #tpu.memory_space<hbm>> -> memref<32x512xi32, #tpu.memory_space<hbm>>
    %dma_wait3A_219 = tpu.memref_slice %arg9[%dma_wait3A_212] : memref<2x!tpu.dma_semaphore, #tpu.memory_space<semaphore_mem>> -> memref<1x!tpu.dma_semaphore, #tpu.memory_space<semaphore_mem>>
    %dma_wait3A_220 = tpu.memref_squeeze %dma_wait3A_219 : memref<1x!tpu.dma_semaphore, #tpu.memory_space<semaphore_mem>> -> memref<!tpu.dma_semaphore, #tpu.memory_space<semaphore_mem>>
    %dma_wait3A_221 = arith.constant 0 : i32
    %dma_wait3A_222 = arith.constant 0 : i32
    %dma_wait3A_223 = tpu.memref_slice %arg5[%dma_wait3A_211, %dma_wait3A_221, %dma_wait3A_222] : memref<2x32x512xi32, #tpu.memory_space<vmem>> -> memref<1x32x512xi32, #tpu.memory_space<vmem>>
    %dma_wait3A_224 = tpu.memref_squeeze %dma_wait3A_223 : memref<1x32x512xi32, #tpu.memory_space<vmem>> -> memref<32x512xi32, #tpu.memory_space<vmem>>
    %dma_wait3A_225 = arith.constant 0 : i32
    %dma_wait3A_226 = tpu.memref_slice %arg2[%add3A_160, %dma_wait3A_225] : memref<8192x512xi32, #tpu.memory_space<hbm>> -> memref<32x512xi32, #tpu.memory_space<hbm>>
    tpu.wait_dma2 semaphore(%dma_wait3A_220 : memref<!tpu.dma_semaphore, #tpu.memory_space<semaphore_mem>>) src(%dma_wait3A_226 : memref<32x512xi32, #tpu.memory_space<hbm>>) dst(%dma_wait3A_224 : memref<32x512xi32, #tpu.memory_space<vmem>>)
    %add3A_227 = arith.constant 224 : i32
    %add3A_228 = arith.addi %mul3A_5, %add3A_227 : i32
    %dma_start3A_229 = arith.constant 1 : i32
    %dma_start3A_230 = arith.constant 1 : i32
    %dma_start3A_231 = arith.constant 0 : i32
    %dma_start3A_232 = arith.constant 0 : i32
    %dma_start3A_233 = tpu.memref_slice %arg5[%dma_start3A_229, %dma_start3A_231, %dma_start3A_232] : memref<2x32x512xi32, #tpu.memory_space<vmem>> -> memref<1x32x512xi32, #tpu.memory_space<vmem>>
    %dma_start3A_234 = tpu.memref_squeeze %dma_start3A_233 : memref<1x32x512xi32, #tpu.memory_space<vmem>> -> memref<32x512xi32, #tpu.memory_space<vmem>>
    %dma_start3A_235 = arith.constant 0 : i32
    %dma_start3A_236 = tpu.memref_slice %arg2[%add3A_228, %dma_start3A_235] : memref<8192x512xi32, #tpu.memory_space<hbm>> -> memref<32x512xi32, #tpu.memory_space<hbm>>
    %dma_start3A_237 = tpu.memref_slice %arg9[%dma_start3A_230] : memref<2x!tpu.dma_semaphore, #tpu.memory_space<semaphore_mem>> -> memref<1x!tpu.dma_semaphore, #tpu.memory_space<semaphore_mem>>
    %dma_start3A_238 = tpu.memref_squeeze %dma_start3A_237 : memref<1x!tpu.dma_semaphore, #tpu.memory_space<semaphore_mem>> -> memref<!tpu.dma_semaphore, #tpu.memory_space<semaphore_mem>>
    %dma_start3A_239 = arith.constant 0 : i32
    %dma_start3A_240 = arith.constant 0 : i32
    %dma_start3A_241 = tpu.memref_slice %arg5[%dma_start3A_229, %dma_start3A_239, %dma_start3A_240] : memref<2x32x512xi32, #tpu.memory_space<vmem>> -> memref<1x32x512xi32, #tpu.memory_space<vmem>>
    %dma_start3A_242 = tpu.memref_squeeze %dma_start3A_241 : memref<1x32x512xi32, #tpu.memory_space<vmem>> -> memref<32x512xi32, #tpu.memory_space<vmem>>
    %dma_start3A_243 = arith.constant 0 : i32
    %dma_start3A_244 = tpu.memref_slice %arg2[%add3A_228, %dma_start3A_243] : memref<8192x512xi32, #tpu.memory_space<hbm>> -> memref<32x512xi32, #tpu.memory_space<hbm>>
    tpu.enqueue_dma source(%dma_start3A_244 : memref<32x512xi32, #tpu.memory_space<hbm>>) target(%dma_start3A_242 : memref<32x512xi32, #tpu.memory_space<vmem>>) target_semaphore(%dma_start3A_238 : memref<!tpu.dma_semaphore, #tpu.memory_space<semaphore_mem>>)
    %dma_wait3A_245 = arith.constant 0 : i32
    %dma_wait3A_246 = arith.constant 0 : i32
    %dma_wait3A_247 = arith.constant 0 : i32
    %dma_wait3A_248 = arith.constant 0 : i32
    %dma_wait3A_249 = tpu.memref_slice %arg5[%dma_wait3A_245, %dma_wait3A_247, %dma_wait3A_248] : memref<2x32x512xi32, #tpu.memory_space<vmem>> -> memref<1x32x512xi32, #tpu.memory_space<vmem>>
    %dma_wait3A_250 = tpu.memref_squeeze %dma_wait3A_249 : memref<1x32x512xi32, #tpu.memory_space<vmem>> -> memref<32x512xi32, #tpu.memory_space<vmem>>
    %dma_wait3A_251 = arith.constant 0 : i32
    %dma_wait3A_252 = tpu.memref_slice %arg2[%add3A_194, %dma_wait3A_251] : memref<8192x512xi32, #tpu.memory_space<hbm>> -> memref<32x512xi32, #tpu.memory_space<hbm>>
    %dma_wait3A_253 = tpu.memref_slice %arg9[%dma_wait3A_246] : memref<2x!tpu.dma_semaphore, #tpu.memory_space<semaphore_mem>> -> memref<1x!tpu.dma_semaphore, #tpu.memory_space<semaphore_mem>>
    %dma_wait3A_254 = tpu.memref_squeeze %dma_wait3A_253 : memref<1x!tpu.dma_semaphore, #tpu.memory_space<semaphore_mem>> -> memref<!tpu.dma_semaphore, #tpu.memory_space<semaphore_mem>>
    %dma_wait3A_255 = arith.constant 0 : i32
    %dma_wait3A_256 = arith.constant 0 : i32
    %dma_wait3A_257 = tpu.memref_slice %arg5[%dma_wait3A_245, %dma_wait3A_255, %dma_wait3A_256] : memref<2x32x512xi32, #tpu.memory_space<vmem>> -> memref<1x32x512xi32, #tpu.memory_space<vmem>>
    %dma_wait3A_258 = tpu.memref_squeeze %dma_wait3A_257 : memref<1x32x512xi32, #tpu.memory_space<vmem>> -> memref<32x512xi32, #tpu.memory_space<vmem>>
    %dma_wait3A_259 = arith.constant 0 : i32
    %dma_wait3A_260 = tpu.memref_slice %arg2[%add3A_194, %dma_wait3A_259] : memref<8192x512xi32, #tpu.memory_space<hbm>> -> memref<32x512xi32, #tpu.memory_space<hbm>>
    tpu.wait_dma2 semaphore(%dma_wait3A_254 : memref<!tpu.dma_semaphore, #tpu.memory_space<semaphore_mem>>) src(%dma_wait3A_260 : memref<32x512xi32, #tpu.memory_space<hbm>>) dst(%dma_wait3A_258 : memref<32x512xi32, #tpu.memory_space<vmem>>)
    %dma_wait3A_261 = arith.constant 1 : i32
    %dma_wait3A_262 = arith.constant 1 : i32
    %dma_wait3A_263 = arith.constant 0 : i32
    %dma_wait3A_264 = arith.constant 0 : i32
    %dma_wait3A_265 = tpu.memref_slice %arg5[%dma_wait3A_261, %dma_wait3A_263, %dma_wait3A_264] : memref<2x32x512xi32, #tpu.memory_space<vmem>> -> memref<1x32x512xi32, #tpu.memory_space<vmem>>
    %dma_wait3A_266 = tpu.memref_squeeze %dma_wait3A_265 : memref<1x32x512xi32, #tpu.memory_space<vmem>> -> memref<32x512xi32, #tpu.memory_space<vmem>>
    %dma_wait3A_267 = arith.constant 0 : i32
    %dma_wait3A_268 = tpu.memref_slice %arg2[%add3A_228, %dma_wait3A_267] : memref<8192x512xi32, #tpu.memory_space<hbm>> -> memref<32x512xi32, #tpu.memory_space<hbm>>
    %dma_wait3A_269 = tpu.memref_slice %arg9[%dma_wait3A_262] : memref<2x!tpu.dma_semaphore, #tpu.memory_space<semaphore_mem>> -> memref<1x!tpu.dma_semaphore, #tpu.memory_space<semaphore_mem>>
    %dma_wait3A_270 = tpu.memref_squeeze %dma_wait3A_269 : memref<1x!tpu.dma_semaphore, #tpu.memory_space<semaphore_mem>> -> memref<!tpu.dma_semaphore, #tpu.memory_space<semaphore_mem>>
    %dma_wait3A_271 = arith.constant 0 : i32
    %dma_wait3A_272 = arith.constant 0 : i32
    %dma_wait3A_273 = tpu.memref_slice %arg5[%dma_wait3A_261, %dma_wait3A_271, %dma_wait3A_272] : memref<2x32x512xi32, #tpu.memory_space<vmem>> -> memref<1x32x512xi32, #tpu.memory_space<vmem>>
    %dma_wait3A_274 = tpu.memref_squeeze %dma_wait3A_273 : memref<1x32x512xi32, #tpu.memory_space<vmem>> -> memref<32x512xi32, #tpu.memory_space<vmem>>
    %dma_wait3A_275 = arith.constant 0 : i32
    %dma_wait3A_276 = tpu.memref_slice %arg2[%add3A_228, %dma_wait3A_275] : memref<8192x512xi32, #tpu.memory_space<hbm>> -> memref<32x512xi32, #tpu.memory_space<hbm>>
    tpu.wait_dma2 semaphore(%dma_wait3A_270 : memref<!tpu.dma_semaphore, #tpu.memory_space<semaphore_mem>>) src(%dma_wait3A_276 : memref<32x512xi32, #tpu.memory_space<hbm>>) dst(%dma_wait3A_274 : memref<32x512xi32, #tpu.memory_space<vmem>>)
    %mul3A_277 = arith.constant 32 : i32
    %mul3A_278 = arith.muli %add3A, %mul3A_277 : i32
    "tpu.region"() ({
      %run_scoped3A_279 = tpu.sem_alloc : memref<!tpu.dma_semaphore, #tpu.memory_space<semaphore_mem>>
      %dma_start3A_280 = arith.constant 0 : i32
      %dma_start3A_281 = tpu.memref_slice %arg4[%mul3A_278, %dma_start3A_280] : memref<1024x128xi32, #tpu.memory_space<hbm>> -> memref<32x128xi32, #tpu.memory_space<hbm>>
      %dma_start3A_282 = arith.constant 0 : i32
      %dma_start3A_283 = tpu.memref_slice %arg4[%mul3A_278, %dma_start3A_282] : memref<1024x128xi32, #tpu.memory_space<hbm>> -> memref<32x128xi32, #tpu.memory_space<hbm>>
      tpu.enqueue_dma source(%arg7 : memref<32x128xi32, #tpu.memory_space<vmem>>) target(%dma_start3A_283 : memref<32x128xi32, #tpu.memory_space<hbm>>) target_semaphore(%run_scoped3A_279 : memref<!tpu.dma_semaphore, #tpu.memory_space<semaphore_mem>>)
      %dma_wait3A_284 = arith.constant 0 : i32
      %dma_wait3A_285 = tpu.memref_slice %arg4[%mul3A_278, %dma_wait3A_284] : memref<1024x128xi32, #tpu.memory_space<hbm>> -> memref<32x128xi32, #tpu.memory_space<hbm>>
      %dma_wait3A_286 = arith.constant 0 : i32
      %dma_wait3A_287 = tpu.memref_slice %arg4[%mul3A_278, %dma_wait3A_286] : memref<1024x128xi32, #tpu.memory_space<hbm>> -> memref<32x128xi32, #tpu.memory_space<hbm>>
      tpu.wait_dma2 semaphore(%run_scoped3A_279 : memref<!tpu.dma_semaphore, #tpu.memory_space<semaphore_mem>>) src(%arg7 : memref<32x128xi32, #tpu.memory_space<vmem>>) dst(%dma_wait3A_287 : memref<32x128xi32, #tpu.memory_space<hbm>>)
      tpu.yield
    }) : () -> ()
    return
  }
}

module attributes {stable_mosaic.version = 14 : i64} {
  func.func @_bce_body(%arg0: i32, %arg1: memref<1024x512xf32, #tpu.memory_space<vmem>>, %arg2: memref<1024x512xf32, #tpu.memory_space<vmem>>, %arg3: memref<1024x512xi32, #tpu.memory_space<vmem>>) attributes {dimension_semantics = [#tpu.dimension_semantics<arbitrary>], iteration_bounds = array<i64: 8>, scalar_prefetch = 0 : i64, scratch_operands = 0 : i64, tpu.core_type = #tpu.core_type<tc>, window_params = [{transform_indices = @transform_0, window_bounds = array<i64: 1024, 512>}, {transform_indices = @transform_1, window_bounds = array<i64: 1024, 512>}, {transform_indices = @transform_2, window_bounds = array<i64: 1024, 512>}]} {
    %get3A = arith.constant 0 : index
    %get3A_0 = arith.constant 0 : index
    %get3A_1 = vector.load %arg1[%get3A, %get3A_0] : memref<1024x512xf32, #tpu.memory_space<vmem>>, vector<1024x512xf32>
    %get3A_2 = arith.constant 0 : index
    %get3A_3 = arith.constant 0 : index
    %get3A_4 = vector.load %arg2[%get3A_2, %get3A_3] : memref<1024x512xf32, #tpu.memory_space<vmem>>, vector<1024x512xf32>
    %max3A = arith.constant 0.000000e+00 : f32
    %max3A_5 = vector.broadcast %max3A : f32 to vector<1024x512xf32>
    %max3A_6 = arith.maximumf %get3A_1, %max3A_5 : vector<1024x512xf32>
    %mul3A = arith.mulf %get3A_1, %get3A_4 : vector<1024x512xf32>
    %sub3A = arith.subf %max3A_6, %mul3A : vector<1024x512xf32>
    %abs3A = math.absf %get3A_1 : vector<1024x512xf32>
    %neg3A = arith.constant 0.000000e+00 : f32
    %neg3A_7 = vector.broadcast %neg3A : f32 to vector<1024x512xf32>
    %neg3A_8 = arith.subf %neg3A_7, %abs3A : vector<1024x512xf32>
    %exp3A = math.exp %neg3A_8 : vector<1024x512xf32>
    %log1p3A = math.log1p %exp3A : vector<1024x512xf32>
    %add3A = arith.addf %sub3A, %log1p3A : vector<1024x512xf32>
    %bitcast_convert_type3A = tpu.bitcast %add3A : vector<1024x512xf32> -> vector<1024x512xi32>
    %swap3A = arith.constant 0 : index
    %swap3A_9 = arith.constant 0 : index
    %swap3A_10 = vector.load %arg3[%swap3A, %swap3A_9] : memref<1024x512xi32, #tpu.memory_space<vmem>>, vector<1024x512xi32>
    tpu.vector_store %arg3[%swap3A, %swap3A_9], %bitcast_convert_type3A {strides = array<i32>} : memref<1024x512xi32, #tpu.memory_space<vmem>>, vector<1024x512xi32>,
    return
  }
  func.func @transform_0(%arg0: i32) -> (i32, i32) {
    %c0_i32 = arith.constant 0 : i32
    %c0_i32_0 = arith.constant 0 : i32
    return %arg0, %c0_i32 : i32, i32
  }
  func.func @transform_1(%arg0: i32) -> (i32, i32) {
    %c0_i32 = arith.constant 0 : i32
    %c0_i32_0 = arith.constant 0 : i32
    return %arg0, %c0_i32 : i32, i32
  }
  func.func @transform_2(%arg0: i32) -> (i32, i32) {
    %c0_i32 = arith.constant 0 : i32
    %c0_i32_0 = arith.constant 0 : i32
    return %arg0, %c0_i32 : i32, i32
  }
}

module attributes {stable_mosaic.version = 14 : i64} {
  func.func @_pick1_body(%arg0: memref<1024x128xi32, #tpu.memory_space<vmem>>, %arg1: memref<8x128xi32, #tpu.memory_space<vmem>>) attributes {dimension_semantics = [], scalar_prefetch = 0 : i64, scratch_operands = 0 : i64, tpu.core_type = #tpu.core_type<tc>} {
    %get3A = arith.constant 0 : index
    %get3A_0 = arith.constant 0 : index
    %get3A_1 = vector.load %arg0[%get3A, %get3A_0] : memref<1024x128xi32, #tpu.memory_space<vmem>>, vector<1024x128xi32>
    %convert_element_type3A = arith.sitofp %get3A_1 : vector<1024x128xi32> to vector<1024x128xf32>
    %broadcast_in_dim3A = arith.constant 0.000000e+00 : f32
    %broadcast_in_dim3A_2 = vector.broadcast %broadcast_in_dim3A : f32 to vector<32x128xf32>
    %slice3A = vector.extract_strided_slice %convert_element_type3A {offsets = [0, 0], sizes = [32, 128], strides = [1, 1]} : vector<1024x128xf32> to vector<32x128xf32>
    %add3A = arith.addf %broadcast_in_dim3A_2, %slice3A : vector<32x128xf32>
    %slice3A_3 = vector.extract_strided_slice %convert_element_type3A {offsets = [32, 0], sizes = [32, 128], strides = [1, 1]} : vector<1024x128xf32> to vector<32x128xf32>
    %add3A_4 = arith.addf %add3A, %slice3A_3 : vector<32x128xf32>
    %slice3A_5 = vector.extract_strided_slice %convert_element_type3A {offsets = [64, 0], sizes = [32, 128], strides = [1, 1]} : vector<1024x128xf32> to vector<32x128xf32>
    %add3A_6 = arith.addf %add3A_4, %slice3A_5 : vector<32x128xf32>
    %slice3A_7 = vector.extract_strided_slice %convert_element_type3A {offsets = [96, 0], sizes = [32, 128], strides = [1, 1]} : vector<1024x128xf32> to vector<32x128xf32>
    %add3A_8 = arith.addf %add3A_6, %slice3A_7 : vector<32x128xf32>
    %slice3A_9 = vector.extract_strided_slice %convert_element_type3A {offsets = [128, 0], sizes = [32, 128], strides = [1, 1]} : vector<1024x128xf32> to vector<32x128xf32>
    %add3A_10 = arith.addf %add3A_8, %slice3A_9 : vector<32x128xf32>
    %slice3A_11 = vector.extract_strided_slice %convert_element_type3A {offsets = [160, 0], sizes = [32, 128], strides = [1, 1]} : vector<1024x128xf32> to vector<32x128xf32>
    %add3A_12 = arith.addf %add3A_10, %slice3A_11 : vector<32x128xf32>
    %slice3A_13 = vector.extract_strided_slice %convert_element_type3A {offsets = [192, 0], sizes = [32, 128], strides = [1, 1]} : vector<1024x128xf32> to vector<32x128xf32>
    %add3A_14 = arith.addf %add3A_12, %slice3A_13 : vector<32x128xf32>
    %slice3A_15 = vector.extract_strided_slice %convert_element_type3A {offsets = [224, 0], sizes = [32, 128], strides = [1, 1]} : vector<1024x128xf32> to vector<32x128xf32>
    %add3A_16 = arith.addf %add3A_14, %slice3A_15 : vector<32x128xf32>
    %slice3A_17 = vector.extract_strided_slice %convert_element_type3A {offsets = [256, 0], sizes = [32, 128], strides = [1, 1]} : vector<1024x128xf32> to vector<32x128xf32>
    %add3A_18 = arith.addf %add3A_16, %slice3A_17 : vector<32x128xf32>
    %slice3A_19 = vector.extract_strided_slice %convert_element_type3A {offsets = [288, 0], sizes = [32, 128], strides = [1, 1]} : vector<1024x128xf32> to vector<32x128xf32>
    %add3A_20 = arith.addf %add3A_18, %slice3A_19 : vector<32x128xf32>
    %slice3A_21 = vector.extract_strided_slice %convert_element_type3A {offsets = [320, 0], sizes = [32, 128], strides = [1, 1]} : vector<1024x128xf32> to vector<32x128xf32>
    %add3A_22 = arith.addf %add3A_20, %slice3A_21 : vector<32x128xf32>
    %slice3A_23 = vector.extract_strided_slice %convert_element_type3A {offsets = [352, 0], sizes = [32, 128], strides = [1, 1]} : vector<1024x128xf32> to vector<32x128xf32>
    %add3A_24 = arith.addf %add3A_22, %slice3A_23 : vector<32x128xf32>
    %slice3A_25 = vector.extract_strided_slice %convert_element_type3A {offsets = [384, 0], sizes = [32, 128], strides = [1, 1]} : vector<1024x128xf32> to vector<32x128xf32>
    %add3A_26 = arith.addf %add3A_24, %slice3A_25 : vector<32x128xf32>
    %slice3A_27 = vector.extract_strided_slice %convert_element_type3A {offsets = [416, 0], sizes = [32, 128], strides = [1, 1]} : vector<1024x128xf32> to vector<32x128xf32>
    %add3A_28 = arith.addf %add3A_26, %slice3A_27 : vector<32x128xf32>
    %slice3A_29 = vector.extract_strided_slice %convert_element_type3A {offsets = [448, 0], sizes = [32, 128], strides = [1, 1]} : vector<1024x128xf32> to vector<32x128xf32>
    %add3A_30 = arith.addf %add3A_28, %slice3A_29 : vector<32x128xf32>
    %slice3A_31 = vector.extract_strided_slice %convert_element_type3A {offsets = [480, 0], sizes = [32, 128], strides = [1, 1]} : vector<1024x128xf32> to vector<32x128xf32>
    %add3A_32 = arith.addf %add3A_30, %slice3A_31 : vector<32x128xf32>
    %slice3A_33 = vector.extract_strided_slice %convert_element_type3A {offsets = [512, 0], sizes = [32, 128], strides = [1, 1]} : vector<1024x128xf32> to vector<32x128xf32>
    %add3A_34 = arith.addf %add3A_32, %slice3A_33 : vector<32x128xf32>
    %slice3A_35 = vector.extract_strided_slice %convert_element_type3A {offsets = [544, 0], sizes = [32, 128], strides = [1, 1]} : vector<1024x128xf32> to vector<32x128xf32>
    %add3A_36 = arith.addf %add3A_34, %slice3A_35 : vector<32x128xf32>
    %slice3A_37 = vector.extract_strided_slice %convert_element_type3A {offsets = [576, 0], sizes = [32, 128], strides = [1, 1]} : vector<1024x128xf32> to vector<32x128xf32>
    %add3A_38 = arith.addf %add3A_36, %slice3A_37 : vector<32x128xf32>
    %slice3A_39 = vector.extract_strided_slice %convert_element_type3A {offsets = [608, 0], sizes = [32, 128], strides = [1, 1]} : vector<1024x128xf32> to vector<32x128xf32>
    %add3A_40 = arith.addf %add3A_38, %slice3A_39 : vector<32x128xf32>
    %slice3A_41 = vector.extract_strided_slice %convert_element_type3A {offsets = [640, 0], sizes = [32, 128], strides = [1, 1]} : vector<1024x128xf32> to vector<32x128xf32>
    %add3A_42 = arith.addf %add3A_40, %slice3A_41 : vector<32x128xf32>
    %slice3A_43 = vector.extract_strided_slice %convert_element_type3A {offsets = [672, 0], sizes = [32, 128], strides = [1, 1]} : vector<1024x128xf32> to vector<32x128xf32>
    %add3A_44 = arith.addf %add3A_42, %slice3A_43 : vector<32x128xf32>
    %slice3A_45 = vector.extract_strided_slice %convert_element_type3A {offsets = [704, 0], sizes = [32, 128], strides = [1, 1]} : vector<1024x128xf32> to vector<32x128xf32>
    %add3A_46 = arith.addf %add3A_44, %slice3A_45 : vector<32x128xf32>
    %slice3A_47 = vector.extract_strided_slice %convert_element_type3A {offsets = [736, 0], sizes = [32, 128], strides = [1, 1]} : vector<1024x128xf32> to vector<32x128xf32>
    %add3A_48 = arith.addf %add3A_46, %slice3A_47 : vector<32x128xf32>
    %slice3A_49 = vector.extract_strided_slice %convert_element_type3A {offsets = [768, 0], sizes = [32, 128], strides = [1, 1]} : vector<1024x128xf32> to vector<32x128xf32>
    %add3A_50 = arith.addf %add3A_48, %slice3A_49 : vector<32x128xf32>
    %slice3A_51 = vector.extract_strided_slice %convert_element_type3A {offsets = [800, 0], sizes = [32, 128], strides = [1, 1]} : vector<1024x128xf32> to vector<32x128xf32>
    %add3A_52 = arith.addf %add3A_50, %slice3A_51 : vector<32x128xf32>
    %slice3A_53 = vector.extract_strided_slice %convert_element_type3A {offsets = [832, 0], sizes = [32, 128], strides = [1, 1]} : vector<1024x128xf32> to vector<32x128xf32>
    %add3A_54 = arith.addf %add3A_52, %slice3A_53 : vector<32x128xf32>
    %slice3A_55 = vector.extract_strided_slice %convert_element_type3A {offsets = [864, 0], sizes = [32, 128], strides = [1, 1]} : vector<1024x128xf32> to vector<32x128xf32>
    %add3A_56 = arith.addf %add3A_54, %slice3A_55 : vector<32x128xf32>
    %slice3A_57 = vector.extract_strided_slice %convert_element_type3A {offsets = [896, 0], sizes = [32, 128], strides = [1, 1]} : vector<1024x128xf32> to vector<32x128xf32>
    %add3A_58 = arith.addf %add3A_56, %slice3A_57 : vector<32x128xf32>
    %slice3A_59 = vector.extract_strided_slice %convert_element_type3A {offsets = [928, 0], sizes = [32, 128], strides = [1, 1]} : vector<1024x128xf32> to vector<32x128xf32>
    %add3A_60 = arith.addf %add3A_58, %slice3A_59 : vector<32x128xf32>
    %slice3A_61 = vector.extract_strided_slice %convert_element_type3A {offsets = [960, 0], sizes = [32, 128], strides = [1, 1]} : vector<1024x128xf32> to vector<32x128xf32>
    %add3A_62 = arith.addf %add3A_60, %slice3A_61 : vector<32x128xf32>
    %slice3A_63 = vector.extract_strided_slice %convert_element_type3A {offsets = [992, 0], sizes = [32, 128], strides = [1, 1]} : vector<1024x128xf32> to vector<32x128xf32>
    %add3A_64 = arith.addf %add3A_62, %slice3A_63 : vector<32x128xf32>
    %iota3A = tpu.iota {dimensions = array<i32: 0>} : vector<128x128xi32>
    %iota3A_65 = tpu.iota {dimensions = array<i32: 1>} : vector<128x128xi32>
    %ge3A = arith.cmpi sge, %iota3A, %iota3A_65 : vector<128x128xi32>
    %convert_element_type3A_66 = arith.extui %ge3A : vector<128x128xi1> to vector<128x128xi32>
    %convert_element_type3A_67 = arith.sitofp %convert_element_type3A_66 : vector<128x128xi32> to vector<128x128xf32>
    %dot_general3A = arith.constant dense<0.000000e+00> : vector<32x128xf32>
    %dot_general3A_68 = tpu.matmul %add3A_64, %convert_element_type3A_67, %dot_general3A {dimension_numbers = #tpu.dot_dimension_numbers<[1], [0], [0], [1], [0, 0, 1, 1], [], []>, transpose_lhs_hint = false} : vector<32x128xf32>, vector<128x128xf32>, vector<32x128xf32> -> vector<32x128xf32>
    %iota3A_69 = tpu.iota {dimensions = array<i32: 0>} : vector<32x32xi32>
    %iota3A_70 = tpu.iota {dimensions = array<i32: 1>} : vector<32x32xi32>
    %gt3A = arith.cmpi sgt, %iota3A_70, %iota3A_69 : vector<32x32xi32>
    %convert_element_type3A_71 = arith.extui %gt3A : vector<32x32xi1> to vector<32x32xi32>
    %convert_element_type3A_72 = arith.sitofp %convert_element_type3A_71 : vector<32x32xi32> to vector<32x32xf32>
    %dot_general3A_73 = arith.constant dense<0.000000e+00> : vector<32x128xf32>
    %dot_general3A_74 = tpu.matmul %convert_element_type3A_72, %add3A_64, %dot_general3A_73 {dimension_numbers = #tpu.dot_dimension_numbers<[1], [0], [0], [1], [0, 0, 1, 1], [], []>, transpose_lhs_hint = false} : vector<32x32xf32>, vector<32x128xf32>, vector<32x128xf32> -> vector<32x128xf32>
    %reduce_sum3A = arith.constant dense<0.000000e+00> : vector<32xf32>
    %reduce_sum3A_75 = vector.multi_reduction <add>, %dot_general3A_74, %reduce_sum3A [1] : vector<32x128xf32> to vector<32xf32>
    %broadcast_in_dim3A_76 = vector.shape_cast %reduce_sum3A_75 : vector<32xf32> to vector<32x1xf32>
    %iota3A_77 = tpu.iota {dimensions = array<i32: 0>} : vector<32x128xi32>
    %mul3A = arith.constant 128 : i32
    %mul3A_78 = vector.broadcast %mul3A : i32 to vector<32x128xi32>
    %mul3A_79 = arith.muli %iota3A_77, %mul3A_78 : vector<32x128xi32>
    %iota3A_80 = tpu.iota {dimensions = array<i32: 1>} : vector<32x128xi32>
    %add3A_81 = arith.addi %mul3A_79, %iota3A_80 : vector<32x128xi32>
    %add3A_82 = vector.broadcast %broadcast_in_dim3A_76 : vector<32x1xf32> to vector<32x128xf32>
    %add3A_83 = arith.addf %dot_general3A_68, %add3A_82 : vector<32x128xf32>
    %ge3A_84 = arith.constant 0x49800000 : f32
    %ge3A_85 = vector.broadcast %ge3A_84 : f32 to vector<32x128xf32>
    %ge3A_86 = arith.cmpf oge, %add3A_83, %ge3A_85 : vector<32x128xf32>
    %jit3A = arith.constant -1 : i32
    %broadcast_in_dim3A_87 = vector.broadcast %jit3A : i32 to vector<32x128xi32>
    %select_n3A = arith.select %ge3A_86, %add3A_81, %broadcast_in_dim3A_87 : vector<32x128xi1>, vector<32x128xi32>
    %reduce_max3A = vector.shape_cast %select_n3A : vector<32x128xi32> to vector<1x32x128xi32>
    %reduce_max3A_88 = arith.constant dense<-2147483648> : vector<1xi32>
    %reduce_max3A_89 = vector.multi_reduction <maxsi>, %reduce_max3A, %reduce_max3A_88 [1, 2] : vector<1x32x128xi32> to vector<1xi32>
    %reduce_max3A_90 = vector.shape_cast %reduce_max3A_89 : vector<1xi32> to vector<1x1x1xi32>
    %reduce_max3A_91 = vector.extract %reduce_max3A_90[0, 0, 0] : i32 from vector<1x1x1xi32>
    %gt3A_92 = vector.broadcast %reduce_max3A_91 : i32 to vector<32x128xi32>
    %gt3A_93 = arith.cmpi sgt, %add3A_81, %gt3A_92 : vector<32x128xi32>
    %jit3A_94 = arith.constant 0.000000e+00 : f32
    %broadcast_in_dim3A_95 = vector.broadcast %jit3A_94 : f32 to vector<32x128xf32>
    %select_n3A_96 = arith.select %gt3A_93, %add3A_64, %broadcast_in_dim3A_95 : vector<32x128xi1>, vector<32x128xf32>
    %reduce_sum3A_97 = vector.shape_cast %select_n3A_96 : vector<32x128xf32> to vector<1x32x128xf32>
    %reduce_sum3A_98 = arith.constant dense<0.000000e+00> : vector<1xf32>
    %reduce_sum3A_99 = vector.multi_reduction <add>, %reduce_sum3A_97, %reduce_sum3A_98 [1, 2] : vector<1x32x128xf32> to vector<1xf32>
    %reduce_sum3A_100 = vector.shape_cast %reduce_sum3A_99 : vector<1xf32> to vector<1x1x1xf32>
    %reduce_sum3A_101 = vector.extract %reduce_sum3A_100[0, 0, 0] : f32 from vector<1x1x1xf32>
    %sub3A = arith.constant 0x49800000 : f32
    %sub3A_102 = arith.subf %sub3A, %reduce_sum3A_101 : f32
    %convert_element_type3A_103 = arith.fptosi %sub3A_102 : f32 to i32
    %iota3A_104 = tpu.iota {dimensions = array<i32: 0>} : vector<8x128xi32>
    %iota3A_105 = tpu.iota {dimensions = array<i32: 1>} : vector<8x128xi32>
    %mul3A_106 = arith.constant 128 : i32
    %mul3A_107 = vector.broadcast %mul3A_106 : i32 to vector<8x128xi32>
    %mul3A_108 = arith.muli %iota3A_104, %mul3A_107 : vector<8x128xi32>
    %add3A_109 = arith.addi %mul3A_108, %iota3A_105 : vector<8x128xi32>
    %eq3A = arith.constant 0 : i32
    %eq3A_110 = vector.broadcast %eq3A : i32 to vector<8x128xi32>
    %eq3A_111 = arith.cmpi eq, %add3A_109, %eq3A_110 : vector<8x128xi32>
    %eq3A_112 = arith.constant 1 : i32
    %eq3A_113 = vector.broadcast %eq3A_112 : i32 to vector<8x128xi32>
    %eq3A_114 = arith.cmpi eq, %add3A_109, %eq3A_113 : vector<8x128xi32>
    %jit3A_115 = arith.constant 0 : i32
    %broadcast_in_dim3A_116 = vector.broadcast %convert_element_type3A_103 : i32 to vector<8x128xi32>
    %broadcast_in_dim3A_117 = vector.broadcast %jit3A_115 : i32 to vector<8x128xi32>
    %select_n3A_118 = arith.select %eq3A_114, %broadcast_in_dim3A_116, %broadcast_in_dim3A_117 : vector<8x128xi1>, vector<8x128xi32>
    %broadcast_in_dim3A_119 = vector.broadcast %reduce_max3A_91 : i32 to vector<8x128xi32>
    %select_n3A_120 = arith.select %eq3A_111, %broadcast_in_dim3A_119, %select_n3A_118 : vector<8x128xi1>, vector<8x128xi32>
    %swap3A = arith.constant 0 : index
    %swap3A_121 = arith.constant 0 : index
    %swap3A_122 = vector.load %arg1[%swap3A, %swap3A_121] : memref<8x128xi32, #tpu.memory_space<vmem>>, vector<8x128xi32>
    tpu.vector_store %arg1[%swap3A, %swap3A_121], %select_n3A_120 {strides = array<i32>} : memref<8x128xi32, #tpu.memory_space<vmem>>, vector<8x128xi32>,
    return
  }
}

module attributes {stable_mosaic.version = 14 : i64} {
  func.func @_final_body(%arg0: i32, %arg1: memref<1024x128xi32, #tpu.memory_space<vmem>>, %arg2: memref<8x128xi32, #tpu.memory_space<vmem>>, %arg3: memref<1024x512xi32, #tpu.memory_space<vmem>>, %arg4: memref<1x128xf32, #tpu.memory_space<vmem>>, %arg5: memref<2xi32, #tpu.memory_space<smem>>) attributes {dimension_semantics = [#tpu.dimension_semantics<arbitrary>], iteration_bounds = array<i64: 8>, scalar_prefetch = 0 : i64, scratch_operands = 1 : i64, tpu.core_type = #tpu.core_type<tc>, window_params = [{pipeline_mode = #tpu.pipeline_mode<synchronous>, transform_indices = @transform_0, window_bounds = array<i64: 1024, 128>}, {pipeline_mode = #tpu.pipeline_mode<synchronous>, transform_indices = @transform_1, window_bounds = array<i64: 8, 128>}, {transform_indices = @transform_2, window_bounds = array<i64: 1024, 512>}, {pipeline_mode = #tpu.pipeline_mode<synchronous>, transform_indices = @transform_3, window_bounds = array<i64: 1, 128>}]} {
    %eq3A = arith.constant 0 : i32
    %eq3A_0 = arith.cmpi eq, %arg0, %eq3A : i32
    %convert_element_type3A = arith.extui %eq3A_0 : i1 to i32
    %cond3A = arith.constant 0 : i32
    %cond3A_1 = arith.cmpi ne, %convert_element_type3A, %cond3A : i32
    scf.if %cond3A_1 {
      %get3A_35 = arith.constant 0 : index
      %get3A_36 = arith.constant 1 : index
      %get3A_37 = vector.load %arg2[%get3A_35, %get3A_36] : memref<8x128xi32, #tpu.memory_space<vmem>>, vector<1x1xi32>
      %get3A_38 = vector.extract %get3A_37[0, 0] : i32 from vector<1x1xi32>
      %convert_element_type3A_39 = arith.sitofp %get3A_38 : i32 to f32
      %get3A_40 = arith.constant 0 : index
      %get3A_41 = arith.constant 0 : index
      %get3A_42 = vector.load %arg2[%get3A_40, %get3A_41] : memref<8x128xi32, #tpu.memory_space<vmem>>, vector<1x1xi32>
      %get3A_43 = vector.extract %get3A_42[0, 0] : i32 from vector<1x1xi32>
      %get3A_44 = arith.constant 0 : index
      %get3A_45 = arith.constant 0 : index
      %get3A_46 = vector.load %arg1[%get3A_44, %get3A_45] : memref<1024x128xi32, #tpu.memory_space<vmem>>, vector<1024x128xi32>
      %convert_element_type3A_47 = arith.sitofp %get3A_46 : vector<1024x128xi32> to vector<1024x128xf32>
      %broadcast_in_dim3A_48 = arith.constant 0.000000e+00 : f32
      %broadcast_in_dim3A_49 = vector.broadcast %broadcast_in_dim3A_48 : f32 to vector<32x128xf32>
      %slice3A = vector.extract_strided_slice %convert_element_type3A_47 {offsets = [0, 0], sizes = [32, 128], strides = [1, 1]} : vector<1024x128xf32> to vector<32x128xf32>
      %add3A_50 = arith.addf %broadcast_in_dim3A_49, %slice3A : vector<32x128xf32>
      %slice3A_51 = vector.extract_strided_slice %convert_element_type3A_47 {offsets = [32, 0], sizes = [32, 128], strides = [1, 1]} : vector<1024x128xf32> to vector<32x128xf32>
      %add3A_52 = arith.addf %add3A_50, %slice3A_51 : vector<32x128xf32>
      %slice3A_53 = vector.extract_strided_slice %convert_element_type3A_47 {offsets = [64, 0], sizes = [32, 128], strides = [1, 1]} : vector<1024x128xf32> to vector<32x128xf32>
      %add3A_54 = arith.addf %add3A_52, %slice3A_53 : vector<32x128xf32>
      %slice3A_55 = vector.extract_strided_slice %convert_element_type3A_47 {offsets = [96, 0], sizes = [32, 128], strides = [1, 1]} : vector<1024x128xf32> to vector<32x128xf32>
      %add3A_56 = arith.addf %add3A_54, %slice3A_55 : vector<32x128xf32>
      %slice3A_57 = vector.extract_strided_slice %convert_element_type3A_47 {offsets = [128, 0], sizes = [32, 128], strides = [1, 1]} : vector<1024x128xf32> to vector<32x128xf32>
      %add3A_58 = arith.addf %add3A_56, %slice3A_57 : vector<32x128xf32>
      %slice3A_59 = vector.extract_strided_slice %convert_element_type3A_47 {offsets = [160, 0], sizes = [32, 128], strides = [1, 1]} : vector<1024x128xf32> to vector<32x128xf32>
      %add3A_60 = arith.addf %add3A_58, %slice3A_59 : vector<32x128xf32>
      %slice3A_61 = vector.extract_strided_slice %convert_element_type3A_47 {offsets = [192, 0], sizes = [32, 128], strides = [1, 1]} : vector<1024x128xf32> to vector<32x128xf32>
      %add3A_62 = arith.addf %add3A_60, %slice3A_61 : vector<32x128xf32>
      %slice3A_63 = vector.extract_strided_slice %convert_element_type3A_47 {offsets = [224, 0], sizes = [32, 128], strides = [1, 1]} : vector<1024x128xf32> to vector<32x128xf32>
      %add3A_64 = arith.addf %add3A_62, %slice3A_63 : vector<32x128xf32>
      %slice3A_65 = vector.extract_strided_slice %convert_element_type3A_47 {offsets = [256, 0], sizes = [32, 128], strides = [1, 1]} : vector<1024x128xf32> to vector<32x128xf32>
      %add3A_66 = arith.addf %add3A_64, %slice3A_65 : vector<32x128xf32>
      %slice3A_67 = vector.extract_strided_slice %convert_element_type3A_47 {offsets = [288, 0], sizes = [32, 128], strides = [1, 1]} : vector<1024x128xf32> to vector<32x128xf32>
      %add3A_68 = arith.addf %add3A_66, %slice3A_67 : vector<32x128xf32>
      %slice3A_69 = vector.extract_strided_slice %convert_element_type3A_47 {offsets = [320, 0], sizes = [32, 128], strides = [1, 1]} : vector<1024x128xf32> to vector<32x128xf32>
      %add3A_70 = arith.addf %add3A_68, %slice3A_69 : vector<32x128xf32>
      %slice3A_71 = vector.extract_strided_slice %convert_element_type3A_47 {offsets = [352, 0], sizes = [32, 128], strides = [1, 1]} : vector<1024x128xf32> to vector<32x128xf32>
      %add3A_72 = arith.addf %add3A_70, %slice3A_71 : vector<32x128xf32>
      %slice3A_73 = vector.extract_strided_slice %convert_element_type3A_47 {offsets = [384, 0], sizes = [32, 128], strides = [1, 1]} : vector<1024x128xf32> to vector<32x128xf32>
      %add3A_74 = arith.addf %add3A_72, %slice3A_73 : vector<32x128xf32>
      %slice3A_75 = vector.extract_strided_slice %convert_element_type3A_47 {offsets = [416, 0], sizes = [32, 128], strides = [1, 1]} : vector<1024x128xf32> to vector<32x128xf32>
      %add3A_76 = arith.addf %add3A_74, %slice3A_75 : vector<32x128xf32>
      %slice3A_77 = vector.extract_strided_slice %convert_element_type3A_47 {offsets = [448, 0], sizes = [32, 128], strides = [1, 1]} : vector<1024x128xf32> to vector<32x128xf32>
      %add3A_78 = arith.addf %add3A_76, %slice3A_77 : vector<32x128xf32>
      %slice3A_79 = vector.extract_strided_slice %convert_element_type3A_47 {offsets = [480, 0], sizes = [32, 128], strides = [1, 1]} : vector<1024x128xf32> to vector<32x128xf32>
      %add3A_80 = arith.addf %add3A_78, %slice3A_79 : vector<32x128xf32>
      %slice3A_81 = vector.extract_strided_slice %convert_element_type3A_47 {offsets = [512, 0], sizes = [32, 128], strides = [1, 1]} : vector<1024x128xf32> to vector<32x128xf32>
      %add3A_82 = arith.addf %add3A_80, %slice3A_81 : vector<32x128xf32>
      %slice3A_83 = vector.extract_strided_slice %convert_element_type3A_47 {offsets = [544, 0], sizes = [32, 128], strides = [1, 1]} : vector<1024x128xf32> to vector<32x128xf32>
      %add3A_84 = arith.addf %add3A_82, %slice3A_83 : vector<32x128xf32>
      %slice3A_85 = vector.extract_strided_slice %convert_element_type3A_47 {offsets = [576, 0], sizes = [32, 128], strides = [1, 1]} : vector<1024x128xf32> to vector<32x128xf32>
      %add3A_86 = arith.addf %add3A_84, %slice3A_85 : vector<32x128xf32>
      %slice3A_87 = vector.extract_strided_slice %convert_element_type3A_47 {offsets = [608, 0], sizes = [32, 128], strides = [1, 1]} : vector<1024x128xf32> to vector<32x128xf32>
      %add3A_88 = arith.addf %add3A_86, %slice3A_87 : vector<32x128xf32>
      %slice3A_89 = vector.extract_strided_slice %convert_element_type3A_47 {offsets = [640, 0], sizes = [32, 128], strides = [1, 1]} : vector<1024x128xf32> to vector<32x128xf32>
      %add3A_90 = arith.addf %add3A_88, %slice3A_89 : vector<32x128xf32>
      %slice3A_91 = vector.extract_strided_slice %convert_element_type3A_47 {offsets = [672, 0], sizes = [32, 128], strides = [1, 1]} : vector<1024x128xf32> to vector<32x128xf32>
      %add3A_92 = arith.addf %add3A_90, %slice3A_91 : vector<32x128xf32>
      %slice3A_93 = vector.extract_strided_slice %convert_element_type3A_47 {offsets = [704, 0], sizes = [32, 128], strides = [1, 1]} : vector<1024x128xf32> to vector<32x128xf32>
      %add3A_94 = arith.addf %add3A_92, %slice3A_93 : vector<32x128xf32>
      %slice3A_95 = vector.extract_strided_slice %convert_element_type3A_47 {offsets = [736, 0], sizes = [32, 128], strides = [1, 1]} : vector<1024x128xf32> to vector<32x128xf32>
      %add3A_96 = arith.addf %add3A_94, %slice3A_95 : vector<32x128xf32>
      %slice3A_97 = vector.extract_strided_slice %convert_element_type3A_47 {offsets = [768, 0], sizes = [32, 128], strides = [1, 1]} : vector<1024x128xf32> to vector<32x128xf32>
      %add3A_98 = arith.addf %add3A_96, %slice3A_97 : vector<32x128xf32>
      %slice3A_99 = vector.extract_strided_slice %convert_element_type3A_47 {offsets = [800, 0], sizes = [32, 128], strides = [1, 1]} : vector<1024x128xf32> to vector<32x128xf32>
      %add3A_100 = arith.addf %add3A_98, %slice3A_99 : vector<32x128xf32>
      %slice3A_101 = vector.extract_strided_slice %convert_element_type3A_47 {offsets = [832, 0], sizes = [32, 128], strides = [1, 1]} : vector<1024x128xf32> to vector<32x128xf32>
      %add3A_102 = arith.addf %add3A_100, %slice3A_101 : vector<32x128xf32>
      %slice3A_103 = vector.extract_strided_slice %convert_element_type3A_47 {offsets = [864, 0], sizes = [32, 128], strides = [1, 1]} : vector<1024x128xf32> to vector<32x128xf32>
      %add3A_104 = arith.addf %add3A_102, %slice3A_103 : vector<32x128xf32>
      %slice3A_105 = vector.extract_strided_slice %convert_element_type3A_47 {offsets = [896, 0], sizes = [32, 128], strides = [1, 1]} : vector<1024x128xf32> to vector<32x128xf32>
      %add3A_106 = arith.addf %add3A_104, %slice3A_105 : vector<32x128xf32>
      %slice3A_107 = vector.extract_strided_slice %convert_element_type3A_47 {offsets = [928, 0], sizes = [32, 128], strides = [1, 1]} : vector<1024x128xf32> to vector<32x128xf32>
      %add3A_108 = arith.addf %add3A_106, %slice3A_107 : vector<32x128xf32>
      %slice3A_109 = vector.extract_strided_slice %convert_element_type3A_47 {offsets = [960, 0], sizes = [32, 128], strides = [1, 1]} : vector<1024x128xf32> to vector<32x128xf32>
      %add3A_110 = arith.addf %add3A_108, %slice3A_109 : vector<32x128xf32>
      %slice3A_111 = vector.extract_strided_slice %convert_element_type3A_47 {offsets = [992, 0], sizes = [32, 128], strides = [1, 1]} : vector<1024x128xf32> to vector<32x128xf32>
      %add3A_112 = arith.addf %add3A_110, %slice3A_111 : vector<32x128xf32>
      %iota3A_113 = tpu.iota {dimensions = array<i32: 0>} : vector<128x128xi32>
      %iota3A_114 = tpu.iota {dimensions = array<i32: 1>} : vector<128x128xi32>
      %ge3A_115 = arith.cmpi sge, %iota3A_113, %iota3A_114 : vector<128x128xi32>
      %convert_element_type3A_116 = arith.extui %ge3A_115 : vector<128x128xi1> to vector<128x128xi32>
      %convert_element_type3A_117 = arith.sitofp %convert_element_type3A_116 : vector<128x128xi32> to vector<128x128xf32>
      %dot_general3A = arith.constant dense<0.000000e+00> : vector<32x128xf32>
      %dot_general3A_118 = tpu.matmul %add3A_112, %convert_element_type3A_117, %dot_general3A {dimension_numbers = #tpu.dot_dimension_numbers<[1], [0], [0], [1], [0, 0, 1, 1], [], []>, transpose_lhs_hint = false} : vector<32x128xf32>, vector<128x128xf32>, vector<32x128xf32> -> vector<32x128xf32>
      %iota3A_119 = tpu.iota {dimensions = array<i32: 0>} : vector<32x32xi32>
      %iota3A_120 = tpu.iota {dimensions = array<i32: 1>} : vector<32x32xi32>
      %gt3A = arith.cmpi sgt, %iota3A_120, %iota3A_119 : vector<32x32xi32>
      %convert_element_type3A_121 = arith.extui %gt3A : vector<32x32xi1> to vector<32x32xi32>
      %convert_element_type3A_122 = arith.sitofp %convert_element_type3A_121 : vector<32x32xi32> to vector<32x32xf32>
      %dot_general3A_123 = arith.constant dense<0.000000e+00> : vector<32x128xf32>
      %dot_general3A_124 = tpu.matmul %convert_element_type3A_122, %add3A_112, %dot_general3A_123 {dimension_numbers = #tpu.dot_dimension_numbers<[1], [0], [0], [1], [0, 0, 1, 1], [], []>, transpose_lhs_hint = false} : vector<32x32xf32>, vector<32x128xf32>, vector<32x128xf32> -> vector<32x128xf32>
      %reduce_sum3A_125 = arith.constant dense<0.000000e+00> : vector<32xf32>
      %reduce_sum3A_126 = vector.multi_reduction <add>, %dot_general3A_124, %reduce_sum3A_125 [1] : vector<32x128xf32> to vector<32xf32>
      %broadcast_in_dim3A_127 = vector.shape_cast %reduce_sum3A_126 : vector<32xf32> to vector<32x1xf32>
      %iota3A_128 = tpu.iota {dimensions = array<i32: 0>} : vector<32x128xi32>
      %mul3A = arith.constant 128 : i32
      %mul3A_129 = vector.broadcast %mul3A : i32 to vector<32x128xi32>
      %mul3A_130 = arith.muli %iota3A_128, %mul3A_129 : vector<32x128xi32>
      %iota3A_131 = tpu.iota {dimensions = array<i32: 1>} : vector<32x128xi32>
      %add3A_132 = arith.addi %mul3A_130, %iota3A_131 : vector<32x128xi32>
      %add3A_133 = vector.broadcast %broadcast_in_dim3A_127 : vector<32x1xf32> to vector<32x128xf32>
      %add3A_134 = arith.addf %dot_general3A_118, %add3A_133 : vector<32x128xf32>
      %ge3A_135 = vector.broadcast %convert_element_type3A_39 : f32 to vector<32x128xf32>
      %ge3A_136 = arith.cmpf oge, %add3A_134, %ge3A_135 : vector<32x128xf32>
      %jit3A_137 = arith.constant -1 : i32
      %broadcast_in_dim3A_138 = vector.broadcast %jit3A_137 : i32 to vector<32x128xi32>
      %select_n3A_139 = arith.select %ge3A_136, %add3A_132, %broadcast_in_dim3A_138 : vector<32x128xi1>, vector<32x128xi32>
      %reduce_max3A = vector.shape_cast %select_n3A_139 : vector<32x128xi32> to vector<1x32x128xi32>
      %reduce_max3A_140 = arith.constant dense<-2147483648> : vector<1xi32>
      %reduce_max3A_141 = vector.multi_reduction <maxsi>, %reduce_max3A, %reduce_max3A_140 [1, 2] : vector<1x32x128xi32> to vector<1xi32>
      %reduce_max3A_142 = vector.shape_cast %reduce_max3A_141 : vector<1xi32> to vector<1x1x1xi32>
      %reduce_max3A_143 = vector.extract %reduce_max3A_142[0, 0, 0] : i32 from vector<1x1x1xi32>
      %mul3A_144 = arith.constant 524288 : i32
      %mul3A_145 = arith.muli %get3A_43, %mul3A_144 : i32
      %mul3A_146 = arith.constant 128 : i32
      %mul3A_147 = arith.muli %reduce_max3A_143, %mul3A_146 : i32
      %add3A_148 = arith.addi %mul3A_145, %mul3A_147 : i32
      %swap3A_149 = arith.constant 0 : index
      %swap3A_150 = memref.load %arg5[%swap3A_149] : memref<2xi32, #tpu.memory_space<smem>>
      memref.store %add3A_148, %arg5[%swap3A_149] : memref<2xi32, #tpu.memory_space<smem>>
      %sub3A = arith.constant 0x49800000 : f32
      %sub3A_151 = arith.subf %sub3A, %convert_element_type3A_39 : f32
      %gt3A_152 = vector.broadcast %reduce_max3A_143 : i32 to vector<32x128xi32>
      %gt3A_153 = arith.cmpi sgt, %add3A_132, %gt3A_152 : vector<32x128xi32>
      %jit3A_154 = arith.constant 0.000000e+00 : f32
      %broadcast_in_dim3A_155 = vector.broadcast %jit3A_154 : f32 to vector<32x128xf32>
      %select_n3A_156 = arith.select %gt3A_153, %add3A_112, %broadcast_in_dim3A_155 : vector<32x128xi1>, vector<32x128xf32>
      %reduce_sum3A_157 = vector.shape_cast %select_n3A_156 : vector<32x128xf32> to vector<1x32x128xf32>
      %reduce_sum3A_158 = arith.constant dense<0.000000e+00> : vector<1xf32>
      %reduce_sum3A_159 = vector.multi_reduction <add>, %reduce_sum3A_157, %reduce_sum3A_158 [1, 2] : vector<1x32x128xf32> to vector<1xf32>
      %reduce_sum3A_160 = vector.shape_cast %reduce_sum3A_159 : vector<1xf32> to vector<1x1x1xf32>
      %reduce_sum3A_161 = vector.extract %reduce_sum3A_160[0, 0, 0] : f32 from vector<1x1x1xf32>
      %add3A_162 = arith.addf %sub3A_151, %reduce_sum3A_161 : f32
      %convert_element_type3A_163 = arith.fptosi %add3A_162 : f32 to i32
      %swap3A_164 = arith.constant 1 : index
      %swap3A_165 = memref.load %arg5[%swap3A_164] : memref<2xi32, #tpu.memory_space<smem>>
      memref.store %convert_element_type3A_163, %arg5[%swap3A_164] : memref<2xi32, #tpu.memory_space<smem>>
    } else {
    }
    %get3A = arith.constant 0 : index
    %get3A_2 = memref.load %arg5[%get3A] : memref<2xi32, #tpu.memory_space<smem>>
    %get3A_3 = arith.constant 0 : index
    %get3A_4 = arith.constant 0 : index
    %get3A_5 = vector.load %arg3[%get3A_3, %get3A_4] : memref<1024x512xi32, #tpu.memory_space<vmem>>, vector<1024x512xi32>
    %bitcast_convert_type3A = tpu.bitcast %get3A_5 : vector<1024x512xi32> -> vector<1024x512xf32>
    %add3A = arith.constant 128 : i32
    %add3A_6 = arith.addi %get3A_2, %add3A : i32
    %ge3A = vector.broadcast %add3A_6 : i32 to vector<1024x512xi32>
    %ge3A_7 = arith.cmpi sge, %get3A_5, %ge3A : vector<1024x512xi32>
    %jit3A = arith.constant 0.000000e+00 : f32
    %broadcast_in_dim3A = vector.broadcast %jit3A : f32 to vector<1024x512xf32>
    %select_n3A = arith.select %ge3A_7, %bitcast_convert_type3A, %broadcast_in_dim3A : vector<1024x512xi1>, vector<1024x512xf32>
    %reduce_sum3A = vector.shape_cast %select_n3A : vector<1024x512xf32> to vector<1x1024x512xf32>
    %reduce_sum3A_8 = arith.constant dense<0.000000e+00> : vector<1xf32>
    %reduce_sum3A_9 = vector.multi_reduction <add>, %reduce_sum3A, %reduce_sum3A_8 [1, 2] : vector<1x1024x512xf32> to vector<1xf32>
    %reduce_sum3A_10 = vector.shape_cast %reduce_sum3A_9 : vector<1xf32> to vector<1x1x1xf32>
    %reduce_sum3A_11 = vector.extract %reduce_sum3A_10[0, 0, 0] : f32 from vector<1x1x1xf32>
    %iota3A = tpu.iota {dimensions = array<i32: 1>} : vector<1x128xi32>
    %eq3A_12 = arith.constant 0 : i32
    %eq3A_13 = vector.broadcast %eq3A_12 : i32 to vector<1x128xi32>
    %eq3A_14 = arith.cmpi eq, %iota3A, %eq3A_13 : vector<1x128xi32>
    %jit3A_15 = arith.constant 0.000000e+00 : f32
    %broadcast_in_dim3A_16 = vector.broadcast %reduce_sum3A_11 : f32 to vector<1x128xf32>
    %broadcast_in_dim3A_17 = vector.broadcast %jit3A_15 : f32 to vector<1x128xf32>
    %select_n3A_18 = arith.select %eq3A_14, %broadcast_in_dim3A_16, %broadcast_in_dim3A_17 : vector<1x128xi1>, vector<1x128xf32>
    %eq3A_19 = arith.constant 0 : i32
    %eq3A_20 = arith.cmpi eq, %arg0, %eq3A_19 : i32
    %convert_element_type3A_21 = arith.extui %eq3A_20 : i1 to i32
    %cond3A_22 = arith.constant 0 : i32
    %cond3A_23 = arith.cmpi ne, %convert_element_type3A_21, %cond3A_22 : i32
    scf.if %cond3A_23 {
      %broadcast_in_dim3A_35 = arith.constant 0.000000e+00 : f32
      %broadcast_in_dim3A_36 = vector.broadcast %broadcast_in_dim3A_35 : f32 to vector<1x128xf32>
      %swap3A_37 = arith.constant 0 : index
      %swap3A_38 = arith.constant 0 : index
      %swap3A_39 = vector.load %arg4[%swap3A_37, %swap3A_38] : memref<1x128xf32, #tpu.memory_space<vmem>>, vector<1x128xf32>
      tpu.vector_store %arg4[%swap3A_37, %swap3A_38], %broadcast_in_dim3A_36 {strides = array<i32>} : memref<1x128xf32, #tpu.memory_space<vmem>>, vector<1x128xf32>,
    } else {
    }
    %get3A_24 = arith.constant 0 : index
    %get3A_25 = arith.constant 0 : index
    %get3A_26 = vector.load %arg4[%get3A_24, %get3A_25] : memref<1x128xf32, #tpu.memory_space<vmem>>, vector<1x128xf32>
    %add3A_27 = arith.addf %get3A_26, %select_n3A_18 : vector<1x128xf32>
    %swap3A = arith.constant 0 : index
    %swap3A_28 = arith.constant 0 : index
    %swap3A_29 = vector.load %arg4[%swap3A, %swap3A_28] : memref<1x128xf32, #tpu.memory_space<vmem>>, vector<1x128xf32>
    tpu.vector_store %arg4[%swap3A, %swap3A_28], %add3A_27 {strides = array<i32>} : memref<1x128xf32, #tpu.memory_space<vmem>>, vector<1x128xf32>,
    %eq3A_30 = arith.constant 7 : i32
    %eq3A_31 = arith.cmpi eq, %arg0, %eq3A_30 : i32
    %convert_element_type3A_32 = arith.extui %eq3A_31 : i1 to i32
    %cond3A_33 = arith.constant 0 : i32
    %cond3A_34 = arith.cmpi ne, %convert_element_type3A_32, %cond3A_33 : i32
    scf.if %cond3A_34 {
      %get3A_35 = arith.constant 0 : index
      %get3A_36 = arith.constant 0 : index
      %get3A_37 = vector.load %arg4[%get3A_35, %get3A_36] : memref<1x128xf32, #tpu.memory_space<vmem>>, vector<1x128xf32>
      %slice3A = vector.extract_strided_slice %get3A_37 {offsets = [0, 0], sizes = [1, 1], strides = [1, 1]} : vector<1x128xf32> to vector<1x1xf32>
      %squeeze3A = vector.extract %slice3A[0, 0] : f32 from vector<1x1xf32>
      %get3A_38 = arith.constant 1 : index
      %get3A_39 = memref.load %arg5[%get3A_38] : memref<2xi32, #tpu.memory_space<smem>>
      %convert_element_type3A_40 = arith.sitofp %get3A_39 : i32 to f32
      %bitcast_convert_type3A_41 = arith.bitcast %get3A_2 : i32 to f32
      %sub3A = arith.constant 0x49800000 : f32
      %sub3A_42 = arith.subf %sub3A, %convert_element_type3A_40 : f32
      %mul3A = arith.mulf %sub3A_42, %bitcast_convert_type3A_41 : f32
      %add3A_43 = arith.addf %squeeze3A, %mul3A : f32
      %div3A = arith.constant 0x49800000 : f32
      %div3A_44 = arith.divf %add3A_43, %div3A : f32
      %eq3A_45 = arith.constant 2 : i32
      %eq3A_46 = vector.broadcast %eq3A_45 : i32 to vector<1x128xi32>
      %eq3A_47 = arith.cmpi eq, %iota3A, %eq3A_46 : vector<1x128xi32>
      %broadcast_in_dim3A_48 = vector.broadcast %div3A_44 : f32 to vector<1x128xf32>
      %select_n3A_49 = arith.select %eq3A_47, %broadcast_in_dim3A_48, %get3A_37 : vector<1x128xi1>, vector<1x128xf32>
      %swap3A_50 = arith.constant 0 : index
      %swap3A_51 = arith.constant 0 : index
      %swap3A_52 = vector.load %arg4[%swap3A_50, %swap3A_51] : memref<1x128xf32, #tpu.memory_space<vmem>>, vector<1x128xf32>
      tpu.vector_store %arg4[%swap3A_50, %swap3A_51], %select_n3A_49 {strides = array<i32>} : memref<1x128xf32, #tpu.memory_space<vmem>>, vector<1x128xf32>,
    } else {
    }
    return
  }
  func.func @transform_0(%arg0: i32) -> (i32, i32) {
    %c0_i32 = arith.constant 0 : i32
    %c0_i32_0 = arith.constant 0 : i32
    %c0_i32_1 = arith.constant 0 : i32
    return %c0_i32, %c0_i32_0 : i32, i32
  }
  func.func @transform_1(%arg0: i32) -> (i32, i32) {
    %c0_i32 = arith.constant 0 : i32
    %c0_i32_0 = arith.constant 0 : i32
    %c0_i32_1 = arith.constant 0 : i32
    return %c0_i32, %c0_i32_0 : i32, i32
  }
  func.func @transform_2(%arg0: i32) -> (i32, i32) {
    %c0_i32 = arith.constant 0 : i32
    %c0_i32_0 = arith.constant 0 : i32
    return %arg0, %c0_i32 : i32, i32
  }
  func.func @transform_3(%arg0: i32) -> (i32, i32) {
    %c0_i32 = arith.constant 0 : i32
    %c0_i32_0 = arith.constant 0 : i32
    %c0_i32_1 = arith.constant 0 : i32
    return %c0_i32, %c0_i32_0 : i32, i32
  }
}

</mosaic_0001>

<sc_bundles>
// kernel: kernel.10.cloned.1.call-start
scs
__scs_entry_jumppad:
0x0: {  	(pc) =	sbr.rel $0x88, $3  }
0x1: {  	(tag) =	ssettag $0x0;
	lr =	simm.s32 $0x1  }
0x2: {  	[smem:$0x3F9F] =	sst lr;
	_ =	strace $0xD0000000  }
0x3: {  	_ = 	snop  }
0x4: {  	_ = 	snop  }
0x5: {  	_ = 	snop  }
0x6: {  	_ = 	snop  }
0x7: {  	_ = 	snop  }
__scs_overlays_trampoline_lowered:
0x8: {  	[smem:$0x3FAE] =	sst s0  }
0x9: {  	[smem:$0x3FAF] =	sst s1  }
0xa: {  	[smem:$0x3FB0] =	sst s2  }
0xb: {  	[smem:$0x3FB1] =	sst s3  }
0xc: {  	[smem:$0x3FB2] =	sst s4  }
0xd: {  	[smem:$0x3FB3] =	sst s5  }
0xe: {  	[smem:$0x3FB4] =	sst s6  }
0xf: {  	[smem:$0x3FB5] =	sst s7  }
0x10: {  	[smem:$0x3FB6] =	sst s8  }
0x11: {  	[smem:$0x3FB7] =	sst s9;
	s0 =	simm.s32 @!p0 $0x0  }
0x12: {  	s1 =	sld [smem:$0x3F9D];
	s0 =	simm.s32 @p0 $0x1  }
0x13: {  	[smem:$0x3FB8] =	sst s0;
	s0 =	simm.s32 @!p1 $0x0  }
0x14: {  	s2 =	sld [smem:$0x3F9C];
	s0 =	simm.s32 @p1 $0x1  }
0x15: {  	[smem:$0x3FB9] =	sst s0;
	s0 =	simm.s32 @!p2 $0x0  }
0x16: {  	s3 =	sld [smem:$0x3FDB];
	s0 =	simm.s32 @p2 $0x1  }
0x17: {  	s4 =	simm.s32 $0x1BF5;
	[smem:$0x3FBB] =	sst s0  }
0x18: {  	s0 =	sld [smem:$0x3F9E];
	_ =	swait.ge [sflag:s4], $0x0  }
0x19: {  	s7 =	sld [smem:$0x3F9F]  }
0x1a: {  	s8 =	sadd.s32 $0xFFFFE003, lr  }
0x1b: {  	s9 =	sadd.s32 $0xFFFFFEF7, lr;
	s5 =	simm.s32 $0xFFFFFFFF;
	p2 =	slt.u32 s8, $0xFFFFF086  }
0x1c: {  	p1 =	slt.u32 s9, $0xF7A;
	s5 =	simm.s32 @!p2 $0x0  }
0x1d: {  	s5 =	simm.s32 @p1 $0x1;
	p0 =	seq.s32 s7, s2  }
0x1e: {  	s7 =	smul.u32 @!p0 $0xF7A, s2;
	p2 =	seq.s32 @!p0 s5, $0x0  }
0x1f: {  	s9 =	smul.u32 $0xF7A, s1;
	s8 =	simm.s32 @!p0 $0x1BF5;
	p2 =	por !p2, p0  }
0x20: {  	[sflag:s8] =	ssyncset.s32 @!p0 $0xFFFFF086;
	s6 =	sadd.s32 @!p0 s3, s7;
	s7 =	simm.s32 @!p0 $0x108  }
0x21: {  	s3 =	sadd.s32 s3, s9;
	s6 =	sadd.s32 @!p0 $0x88, s6;
	s7 =	simm.s32 @p2 $0x1082  }
0x22: {  	[simem:s7], [sflag:s8] =	dma.local @!p0 [hbm:s6], $0xF7A  }
0x23: {  	s9 =	sor.u32 $0xD0000000, s2;
	s6 =	simm.s32 $0x108;
	_ =	swait.ge @!p0 [sflag:s8], $0x0  }
0x24: {  	s3 =	sadd.s32 $0x88, s3;
	s6 =	simm.s32 @!p1 $0x1082;
	[sflag:s4] =	ssyncset.s32 $0xFFFFF086  }
0x25: {  	[simem:s6], [sflag:s4] =	dma.local [hbm:s3], $0xF7A  }
0x26: {  	[smem:$0x3F9F] =	sst s1;
	(tag) =	ssettag s2;
	_ =	strace s9  }
0x27: {  	s1 =	sld [smem:$0x3FAF]  }
0x28: {  	s2 =	sld [smem:$0x3FB0]  }
0x29: {  	s4 =	sld [smem:$0x3FB2]  }
0x2a: {  	p0 =	seq.s32 s5, $0x0;
	s5 =	sld [smem:$0x3FB3]  }
0x2b: {  	s6 =	sld [smem:$0x3FB4]  }
0x2c: {  	s7 =	sld [smem:$0x3FB5]  }
0x2d: {  	s3 =	simm.s32 $0x108;
	s8 =	sld [smem:$0x3FB6]  }
0x2e: {  	s3 =	simm.s32 @!p0 $0x1082;
	s9 =	sld [smem:$0x3FB7]  }
0x2f: {  	lr =	sadd.s32 s0, s3;
	s0 =	sld [smem:$0x3FAE]  }
0x30: {  	s3 =	sld [smem:$0x3FB1]  }
0x31: {  	[smem:$0x3FBA] =	sst s10  }
0x32: {  	s10 =	sld [smem:$0x3FB8];
	_ =	sdelay $0x3  }
0x33: {  	p0 =	seq.s32 s10, $0x1;
	s10 =	sld [smem:$0x3FBA];
	_ =	sdelay $0x3  }
0x34: {  	[smem:$0x3FBA] =	sst s10  }
0x35: {  	s10 =	sld [smem:$0x3FB9];
	_ =	sdelay $0x3  }
0x36: {  	p1 =	seq.s32 s10, $0x1;
	s10 =	sld [smem:$0x3FBA];
	_ =	sdelay $0x3  }
0x37: {  	[smem:$0x3FBA] =	sst s10  }
0x38: {  	s10 =	sld [smem:$0x3FBB]  }
0x39: {  	_ = 	snop;
	(pc) =	sbr.ind lr, $3  }
0x3a: {  	_ = 	snop  }
0x3b: {  	_ = 	snop  }
0x3c: {  	p2 =	seq.s32 s10, $0x1;
	s10 =	sld [smem:$0x3FBA]  }
0x3d: {  	_ =	shalt  }
0x3e: {  	_ =	shalt  }
0x3f: {  	_ =	shalt  }
0x40: {  	_ =	shalt  }
0x41: {  	_ =	shalt  }
0x42: {  	_ =	shalt  }
0x43: {  	_ =	shalt  }
0x44: {  	_ =	shalt  }
0x45: {  	_ =	shalt  }
0x46: {  	_ =	shalt  }
0x47: {  	_ =	shalt  }
0x48: {  	_ =	shalt  }
0x49: {  	_ =	shalt  }
0x4a: {  	_ =	shalt  }
0x4b: {  	_ =	shalt  }
0x4c: {  	_ =	shalt  }
0x4d: {  	_ =	shalt  }
0x4e: {  	_ =	shalt  }
0x4f: {  	_ =	shalt  }
0x50: {  	_ =	shalt  }
0x51: {  	_ =	shalt  }
0x52: {  	_ =	shalt  }
0x53: {  	_ =	shalt  }
0x54: {  	_ =	shalt  }
0x55: {  	_ =	shalt  }
0x56: {  	_ =	shalt  }
0x57: {  	_ =	shalt  }
0x58: {  	_ =	shalt  }
0x59: {  	_ =	shalt  }
0x5a: {  	_ =	shalt  }
0x5b: {  	_ =	shalt  }
0x5c: {  	_ =	shalt  }
0x5d: {  	_ =	shalt  }
0x5e: {  	_ =	shalt  }
0x5f: {  	_ =	shalt  }
0x60: {  	_ =	shalt  }
0x61: {  	_ =	shalt  }
0x62: {  	_ =	shalt  }
0x63: {  	_ =	shalt  }
0x64: {  	_ =	shalt  }
0x65: {  	_ =	shalt  }
0x66: {  	_ =	shalt  }
0x67: {  	_ =	shalt  }
0x68: {  	_ =	shalt  }
0x69: {  	_ =	shalt  }
0x6a: {  	_ =	shalt  }
0x6b: {  	_ =	shalt  }
0x6c: {  	_ =	shalt  }
0x6d: {  	_ =	shalt  }
0x6e: {  	_ =	shalt  }
0x6f: {  	_ =	shalt  }
0x70: {  	_ =	shalt  }
0x71: {  	_ =	shalt  }
0x72: {  	_ =	shalt  }
0x73: {  	_ =	shalt  }
0x74: {  	_ =	shalt  }
0x75: {  	_ =	shalt  }
0x76: {  	_ =	shalt  }
0x77: {  	_ =	shalt  }
0x78: {  	_ =	shalt  }
0x79: {  	_ =	shalt  }
0x7a: {  	_ =	shalt  }
0x7b: {  	_ =	shalt  }
0x7c: {  	_ =	shalt  }
0x7d: {  	_ =	shalt  }
0x7e: {  	_ =	shalt  }
0x7f: {  	_ =	shalt  }
0x80: {  	_ =	shalt  }
0x81: {  	_ =	shalt  }
0x82: {  	_ =	shalt  }
0x83: {  	_ =	shalt  }
0x84: {  	_ =	shalt  }
0x85: {  	_ =	shalt  }
0x86: {  	_ =	shalt  }
0x87: {  	_ =	shalt  }
.Lfunc_end0:
.L_simem_size_0:
called_computation.1_lowered:
.L_overlay_start_0:
0x88: {  	s2 =	sld [smem:$0x3FD9]  }
0x89: {  	s3 =	sld [smem:$0x3FFE];
	_ =	sdelay $0x1  }
0x8a: {  	s1 =	srdreg.scid  }
0x8b: {  	s0 =	sand.u32 $0x1, s1  }
0x8c: {  	s16 =	sshll.u32 s0, $0xA;
	s2 =	sadd.s32 s3, s2  }
0x8d: {  	s2 =	sadd.s32 s2, s16  }
0x8e: {  	[smem:$0x3FC6] =	sst s2  }
0x8f: {  	_ = 	snop  }
0x90: {  	(tm) =	ssettm $0x1  }
0x91: {  	s17 =	sld [smem:$0x3FFB];
	_ =	sdelay $0x3  }
0x92: {  	_ =	strace s17  }
0x93: {  	s2 =	sld [smem:$0x3FFC];
	_ =	sdelay $0x3  }
0x94: {  	_ =	strace s2  }
0x95: {  	s2 =	sld [smem:$0x3FFD];
	_ =	sdelay $0x3  }
0x96: {  	_ =	strace s2  }
0x97: {  	_ =	strace $0x8FFFFFFF  }
0x98: {  	s18 =	sld [smem:$0x3FDB];
	_ =	sdelay $0x1  }
0x99: {  	s19 =	simm.s32 $_scs_section_size  }
0x9a: {  	s4 =	simm.s32 $_size__tile_overlayer_lowered;
	s5 =	simm.s32 $_tile_overlayer_lowered  }
0x9b: {  	s22 =	simm.s32 $0x1BFF;
	s21 =	sshll.u32 s5, $0x1;
	s2 =	sadd.s32 s19, s18  }
0x9c: {  	s6 =	simm.s32 $0x0;
	s20 =	sshll.u32 s4, $0x1;
	s4 =	sadd.s32 s21, s2  }
0x9d: {  	[timem:s6], [sflag:s22] =	dma.local [hbm:s4], s20  }
0x9e: {  	_ =	swait.ge [sflag:s22], s20  }
0x9f: {  	s3 =	ssub.s32 $0x0, s20;
	[sflag:s22] =	ssyncset.done $0x0  }
0xa0: {  	[sflag:s22] =	ssyncadd.s32 s3;
	_ =	sdelay $0x1  }
0xa1: {  	s23 =	simm.s32 $0x1B8B  }
0xa2: {  	_ =	swait.ge [sflag:s23], $0x1  }
0xa3: {  	[sflag:s23] =	ssyncset.done $0x0  }
0xa4: {  	s25 =	simm.s32 $0x1B8E;
	s24 =	sld [smem:$0x3FFE];
	[sflag:s23] =	ssyncadd.s32 $0xFFFFFFFF  }
0xa5: {  	s26 =	simm.s32 $execute0_lowered;
	[smem:$0x3FD2] =	sst s25  }
0xa6: {  	s4 =	sshll.u32 s26, $0x1;
	_ =	strace $0x80000049;
	[dreg:$0x1] =	wrdreg $0xFFFFFFFF  }
0xa7: {  	s28 =	simm.s32 $_size_execute0_lowered;
	s2 =	sadd.s32 s2, s4;
	[dreg:$0x0] =	wrdreg $0x0  }
0xa8: {  	s4 =	sshll.u32 s28, $0x1;
	[dreg:$0x2] =	wrdreg s2  }
0xa9: {  	[dreg:$0x3] =	wrdreg s4  }
0xaa: {  	[dreg:$0x4] =	wrdreg $0xC0  }
0xab: {  	_ =	task [dreg:s6], $0x5FFFF  }
0xac: {  	[dreg:$0x1] =	wrdreg $0xFFFFFFFF  }
0xad: {  	[dreg:$0x0] =	wrdreg $0x60  }
0xae: {  	[dreg:$0x2] =	wrdreg s24  }
0xaf: {  	[dreg:$0x3] =	wrdreg $0x9  }
0xb0: {  	_ =	task.clear_ibuf [dreg:s6], $0x4FFFF;
	_ =	strace $0x90000049  }
0xb1: {  	s29 =	simm.s32 $0x9;
	_ =	strace $0x8000004B  }
0xb2: {  	_ =	swait.ge [sflag:s29], $0x1  }
0xb3: {  	[sflag:s29] =	ssyncadd.s32 $0xFFFFFFFF  }
0xb4: {  	_ =	strace $0x9000004B  }
0xb5: {  	_ =	sfence  }
0xb6: {  	s30 =	sld [smem:$0x0];
	_ =	sdelay $0x2  }
0xb7: {  	s31 =	sshll.u32 s1, $0xD;
	s1 =	sshrl.u32 s1, $0x2  }
0xb8: {  	s3 =	sand.u32 $0x4000, s31;
	s1 =	sadd.s32 s1, s30  }
0xb9: {  	s0 =	sor.u32 s3, s0;
	s1 =	sshll.u32 s1, $0x11  }
0xba: {  	s0 =	sor.u32 s1, s0  }
0xbb: {  	s0 =	sadd.s32 $0x8F2B, s0  }
0xbc: {  	[sflag:s0] =	ssyncadd.remote.s32 $0x1  }
0xbd: {  	_ =	sfence.sel $0xFFFF  }
0xbe: {  	[dreg:$0x0] =	wrdreg $0xFFFFFFFF;
	(pc) =	sbr.abs _section_cstart, $3  }
0xbf: {  	[dreg:$0x1] =	wrdreg $0xFFFFFFFF  }
0xc0: {  	_ =	task.clear_ibuf [dreg:s6], $0x2FFFF;
	_ =	strace $0x9FFFFFFF  }
0xc1: {  	(tm) =	ssettm $0x7FFFFFFF  }
tec
execute0_lowered:
.L_overlay_start_1:
0x0: {  	(tag) =	ssettag $0x1  }
0x1: {  	s17 =	rddreg [dreg:$0x0]  }
0x2: {  	s0 =	rddreg [dreg:$0x1];
	s2 =	simm.s32 $0x0;
	s3 =	srdreg.scid  }
0x3: {  	s1 =	stileid.u32;
	s5 =	simm.s32 $0x9000;
	s4 =	simm.s32 $0x3  }
0x4: {  	[smem:$0x7FF] =	sst s2;
	s18 =	sand.u32 $0x1, s3;
	s30 =	sshll.u32 s1, $0x1  }
0x5: {  	s3 =	sadd.s32 $0x82200, s17;
	_ =	strace $0x8000004A;
	s19 =	sor.u32 s18, s30  }
0x6: {  	[tilespmem:s5], [sflag:$0x3] =	stream.linear.gather [hbm4b:s3+s2], $0x10, $0x38;
	[tilespmem:$0x9080] =	vst v63  }
0x7: {  	s6 =	sshll.u32 s19, $0xE;
	_ =	swait.ge [sflag:s4], $0x10  }
0x8: {  	s16 =	sadd.s32 s6, s17;
	[sflag:s4] =	ssyncset.done $0x0  }
0x9: {  	s6 =	sadd.s32 $0x2200, s16;
	[sflag:s4] =	ssyncadd.s32 $0xFFFFFFF0  }
0xa: {  	[tilespmem:s2], [sflag:$0x1] =	stream.linear.gather [hbm4b:s6+s2], $0x4000, $0x38;
	[tilespmem:$0x9080] =	vst v63  }
0xb: {  	s8 =	simm.s32 $0x4000;
	s9 =	simm.s32 $0x1;
	s7 =	sadd.s32 $0x2A00, s16  }
0xc: {  	[tilespmem:s8], [sflag:$0x2] =	stream.linear.gather [hbm4b:s7+s2], $0x4000, $0x38;
	[tilespmem:$0x9080] =	vst v63  }
0xd: {  	_ =	swait.ge [sflag:s9], $0x4000  }
0xe: {  	[sflag:s9] =	ssyncset.done $0x0  }
0xf: {  	s11 =	simm.s32 $0x2;
	s10 =	sadd.s32 $0x3200, s16;
	[sflag:s9] =	ssyncadd.s32 $0xFFFFC000  }
0x10: {  	[tilespmem:s2], [sflag:$0x1] =	stream.linear.gather [hbm4b:s10+s2], $0x4000, $0x38;
	[tilespmem:$0x9080] =	vst v63  }
0x11: {  	_ =	swait.ge [sflag:s11], $0x4000  }
0x12: {  	[sflag:s11] =	ssyncset.done $0x0  }
0x13: {  	s12 =	sadd.s32 $0x3A00, s16;
	[sflag:s11] =	ssyncadd.s32 $0xFFFFC000  }
0x14: {  	[tilespmem:s8], [sflag:$0x2] =	stream.linear.gather [hbm4b:s12+s2], $0x4000, $0x38;
	[tilespmem:$0x9080] =	vst v63  }
0x15: {  	_ =	swait.ge [sflag:s9], $0x4000  }
0x16: {  	[sflag:s9] =	ssyncset.done $0x0  }
0x17: {  	s13 =	sadd.s32 $0x4200, s16;
	[sflag:s9] =	ssyncadd.s32 $0xFFFFC000  }
0x18: {  	[tilespmem:s2], [sflag:$0x1] =	stream.linear.gather [hbm4b:s13+s2], $0x4000, $0x38;
	[tilespmem:$0x9080] =	vst v63  }
0x19: {  	_ =	swait.ge [sflag:s11], $0x4000  }
0x1a: {  	[sflag:s11] =	ssyncset.done $0x0  }
0x1b: {  	s14 =	sadd.s32 $0x4A00, s16;
	[sflag:s11] =	ssyncadd.s32 $0xFFFFC000  }
0x1c: {  	[tilespmem:s8], [sflag:$0x2] =	stream.linear.gather [hbm4b:s14+s2], $0x4000, $0x38;
	[tilespmem:$0x9080] =	vst v63  }
0x1d: {  	_ =	swait.ge [sflag:s9], $0x4000  }
0x1e: {  	[sflag:s9] =	ssyncset.done $0x0  }
0x1f: {  	s15 =	sadd.s32 $0x5200, s16;
	[sflag:s9] =	ssyncadd.s32 $0xFFFFC000  }
0x20: {  	[tilespmem:s2], [sflag:$0x1] =	stream.linear.gather [hbm4b:s15+s2], $0x4000, $0x38;
	[tilespmem:$0x9080] =	vst v63  }
0x21: {  	_ =	swait.ge [sflag:s11], $0x4000  }
0x22: {  	[sflag:s11] =	ssyncset.done $0x0  }
0x23: {  	s18 =	ssub.s32 $0x2, s18;
	s16 =	sadd.s32 $0x5A00, s16;
	[sflag:s11] =	ssyncadd.s32 $0xFFFFC000  }
0x24: {  	[tilespmem:s8], [sflag:$0x2] =	stream.linear.gather [hbm4b:s16+s2], $0x4000, $0x38;
	[tilespmem:$0x9080] =	vst v63  }
0x25: {  	s31 =	sshrl.u32 s18, $0x1;
	_ =	swait.ge [sflag:s9], $0x4000  }
0x26: {  	s19 =	sshll.u32 s19, $0x9;
	s18 =	ssub.s32 s18, s31;
	[sflag:s9] =	ssyncset.done $0x0  }
0x27: {  	s17 =	sadd.s32 s19, s17;
	s19 =	smax.u32 s18, $0x1;
	[sflag:s9] =	ssyncadd.s32 $0xFFFFC000  }
0x28: {  	p0 =	sne.s32 s19, $0x1;
	_ =	swait.ge [sflag:s11], $0x4000  }
.Ltmp0:
0x29: {  	[sflag:s11] =	ssyncset.done $0x0;
	(pc) =	sbr.rel @!p0 .LBB2_2-.Ltmp0, $4  }
0x2a: {  	s17 =	sadd.s32 $0x82400, s17;
	s18 =	simm.s32 $0x8000;
	[sflag:s11] =	ssyncadd.s32 $0xFFFFC000  }
0x2b: {  	[hbm4b:s17+s2] =	stream.linear.scatter [tilespmem:s18], [sflag:$0x3], $0x1000, $0x38;
	[tilespmem:$0x9080] =	vst v63  }
0x2c: {  	_ =	swait.ge [sflag:s4], $0x1000  }
0x2d: {  	s19 =	sadd.s32 $0xFFFFFFFF, s19;
	[sflag:s4] =	ssyncset.done $0x0  }
.LBB2_1:
0x2e: {  	p0 =	sne.s32 s19, $0x1;
	s19 =	sadd.s32 $0xFFFFFFFF, s19;
	[sflag:s4] =	ssyncadd.s32 $0xFFFFF000  }
0x2f: {  	[tilespmem:s5], [sflag:$0x3] =	stream.linear.gather [hbm4b:s3+s2], $0x10, $0x38;
	[tilespmem:$0x9080] =	vst v63  }
0x30: {  	_ =	swait.ge [sflag:s4], $0x10  }
0x31: {  	[sflag:s4] =	ssyncset.done $0x0  }
0x32: {  	[sflag:s4] =	ssyncadd.s32 $0xFFFFFFF0  }
0x33: {  	[tilespmem:s2], [sflag:$0x1] =	stream.linear.gather [hbm4b:s6+s2], $0x4000, $0x38;
	[tilespmem:$0x9080] =	vst v63  }
0x34: {  	_ = 	snop  }
0x35: {  	[tilespmem:s8], [sflag:$0x2] =	stream.linear.gather [hbm4b:s7+s2], $0x4000, $0x38;
	[tilespmem:$0x9080] =	vst v63  }
0x36: {  	_ =	swait.ge [sflag:s9], $0x4000  }
0x37: {  	[sflag:s9] =	ssyncset.done $0x0  }
0x38: {  	[sflag:s9] =	ssyncadd.s32 $0xFFFFC000  }
0x39: {  	[tilespmem:s2], [sflag:$0x1] =	stream.linear.gather [hbm4b:s10+s2], $0x4000, $0x38;
	[tilespmem:$0x9080] =	vst v63  }
0x3a: {  	_ =	swait.ge [sflag:s11], $0x4000  }
0x3b: {  	[sflag:s11] =	ssyncset.done $0x0  }
0x3c: {  	[sflag:s11] =	ssyncadd.s32 $0xFFFFC000  }
0x3d: {  	[tilespmem:s8], [sflag:$0x2] =	stream.linear.gather [hbm4b:s12+s2], $0x4000, $0x38;
	[tilespmem:$0x9080] =	vst v63  }
0x3e: {  	_ =	swait.ge [sflag:s9], $0x4000  }
0x3f: {  	[sflag:s9] =	ssyncset.done $0x0  }
0x40: {  	[sflag:s9] =	ssyncadd.s32 $0xFFFFC000  }
0x41: {  	[tilespmem:s2], [sflag:$0x1] =	stream.linear.gather [hbm4b:s13+s2], $0x4000, $0x38;
	[tilespmem:$0x9080] =	vst v63  }
0x42: {  	_ =	swait.ge [sflag:s11], $0x4000  }
0x43: {  	[sflag:s11] =	ssyncset.done $0x0  }
0x44: {  	[sflag:s11] =	ssyncadd.s32 $0xFFFFC000  }
0x45: {  	[tilespmem:s8], [sflag:$0x2] =	stream.linear.gather [hbm4b:s14+s2], $0x4000, $0x38;
	[tilespmem:$0x9080] =	vst v63  }
0x46: {  	_ =	swait.ge [sflag:s9], $0x4000  }
0x47: {  	[sflag:s9] =	ssyncset.done $0x0  }
0x48: {  	[sflag:s9] =	ssyncadd.s32 $0xFFFFC000  }
0x49: {  	[tilespmem:s2], [sflag:$0x1] =	stream.linear.gather [hbm4b:s15+s2], $0x4000, $0x38;
	[tilespmem:$0x9080] =	vst v63  }
0x4a: {  	_ =	swait.ge [sflag:s11], $0x4000  }
0x4b: {  	[sflag:s11] =	ssyncset.done $0x0  }
0x4c: {  	[sflag:s11] =	ssyncadd.s32 $0xFFFFC000  }
0x4d: {  	[tilespmem:s8], [sflag:$0x2] =	stream.linear.gather [hbm4b:s16+s2], $0x4000, $0x38;
	[tilespmem:$0x9080] =	vst v63  }
0x4e: {  	_ =	swait.ge [sflag:s9], $0x4000  }
0x4f: {  	[sflag:s9] =	ssyncset.done $0x0  }
0x50: {  	[sflag:s9] =	ssyncadd.s32 $0xFFFFC000  }
0x51: {  	_ =	swait.ge [sflag:s11], $0x4000  }
.Ltmp1:
0x52: {  	[sflag:s11] =	ssyncset.done $0x0;
	(pc) =	sbr.rel @p0 .LBB2_1-.Ltmp1, $4  }
0x53: {  	[sflag:s11] =	ssyncadd.s32 $0xFFFFC000  }
0x54: {  	[hbm4b:s17+s2] =	stream.linear.scatter [tilespmem:s18], [sflag:$0x3], $0x1000, $0x38;
	[tilespmem:$0x9080] =	vst v63  }
0x55: {  	_ =	swait.ge [sflag:s4], $0x1000  }
0x56: {  	[sflag:s4] =	ssyncset.done $0x0  }
.LBB2_2:
0x57: {  	[sflag:s4] =	ssyncadd.s32 $0xFFFFF000  }
0x58: {  	_ =	sfence.sel $0x180000  }
0x59: {  	[bflag:$0x0] =	sbarrier.arrive $0xFFFF  }
0x5a: {  	p0 =	sne.s32 s1, $0x0;
	_ =	strace $0x9000004A  }
0x5b: {  	s0 =	sadd.s32 @!p0 $0x100000, s0;
	[bflag:$0x2] =	sbarrier.arrive $0xFFFF  }
0x5c: {  	[sflag:s0] =	ssyncadd.tile.s32 @!p0 $0x1;
	_ =	shalt  }
.Lfunc_end2:
_tile_overlayer_lowered:
.L_overlay_start_2:
0x5d: {  	(tag) =	ssettag $0x2  }
0x5e: {  	s0 =	rddreg [dreg:$0x0];
	s2 =	stileid.u32  }
0x5f: {  	s1 =	rddreg [dreg:$0x1];
	p0 =	sne.s32 s2, $0x0  }
0x60: {  	s3 =	rddreg [dreg:$0x2];
	[bflag:$0x3] =	sbarrier.arrive $0xFFFF;
	s2 =	simm.s32 @!p0 $0x1C03  }
0x61: {  	[timem:s3], [sflag:s2] =	dma.local @!p0 [hbm:s0], s1  }
0x62: {  	s0 =	simm.s32 @!p0 $0x3  }
0x63: {  	_ =	swait.ge @!p0 [sflag:s0], s1  }
0x64: {  	s1 =	ssub.s32 @!p0 $0x0, s1;
	[sflag:s0] =	ssyncset.done @!p0 $0x0  }
0x65: {  	[sflag:s0] =	ssyncadd.s32 @!p0 s1  }
0x66: {  	[bflag:$0x3] =	sbarrier.arrive $0xFFFF  }
0x67: {  	_ =	shalt  }

// kernel: kernel.7.cloned.1.call-start
scs
__scs_entry_jumppad:
0x0: {  	(pc) =	sbr.rel $0x88, $3  }
0x1: {  	(tag) =	ssettag $0x0;
	lr =	simm.s32 $0x1  }
0x2: {  	[smem:$0x3F9F] =	sst lr;
	_ =	strace $0xD0000000  }
0x3: {  	_ = 	snop  }
0x4: {  	_ = 	snop  }
0x5: {  	_ = 	snop  }
0x6: {  	_ = 	snop  }
0x7: {  	_ = 	snop  }
__scs_overlays_trampoline_lowered:
0x8: {  	[smem:$0x3FAE] =	sst s0  }
0x9: {  	[smem:$0x3FAF] =	sst s1  }
0xa: {  	[smem:$0x3FB0] =	sst s2  }
0xb: {  	[smem:$0x3FB1] =	sst s3  }
0xc: {  	[smem:$0x3FB2] =	sst s4  }
0xd: {  	[smem:$0x3FB3] =	sst s5  }
0xe: {  	[smem:$0x3FB4] =	sst s6  }
0xf: {  	[smem:$0x3FB5] =	sst s7  }
0x10: {  	[smem:$0x3FB6] =	sst s8  }
0x11: {  	[smem:$0x3FB7] =	sst s9;
	s0 =	simm.s32 @!p0 $0x0  }
0x12: {  	s1 =	sld [smem:$0x3F9D];
	s0 =	simm.s32 @p0 $0x1  }
0x13: {  	[smem:$0x3FB8] =	sst s0;
	s0 =	simm.s32 @!p1 $0x0  }
0x14: {  	s2 =	sld [smem:$0x3F9C];
	s0 =	simm.s32 @p1 $0x1  }
0x15: {  	[smem:$0x3FB9] =	sst s0;
	s0 =	simm.s32 @!p2 $0x0  }
0x16: {  	s3 =	sld [smem:$0x3FDB];
	s0 =	simm.s32 @p2 $0x1  }
0x17: {  	s4 =	simm.s32 $0x1BF5;
	[smem:$0x3FBB] =	sst s0  }
0x18: {  	s0 =	sld [smem:$0x3F9E];
	_ =	swait.ge [sflag:s4], $0x0  }
0x19: {  	s7 =	sld [smem:$0x3F9F]  }
0x1a: {  	s8 =	sadd.s32 $0xFFFFE003, lr  }
0x1b: {  	s9 =	sadd.s32 $0xFFFFFEF7, lr;
	s5 =	simm.s32 $0xFFFFFFFF;
	p2 =	slt.u32 s8, $0xFFFFF086  }
0x1c: {  	p1 =	slt.u32 s9, $0xF7A;
	s5 =	simm.s32 @!p2 $0x0  }
0x1d: {  	s5 =	simm.s32 @p1 $0x1;
	p0 =	seq.s32 s7, s2  }
0x1e: {  	s7 =	smul.u32 @!p0 $0xF7A, s2;
	p2 =	seq.s32 @!p0 s5, $0x0  }
0x1f: {  	s9 =	smul.u32 $0xF7A, s1;
	s8 =	simm.s32 @!p0 $0x1BF5;
	p2 =	por !p2, p0  }
0x20: {  	[sflag:s8] =	ssyncset.s32 @!p0 $0xFFFFF086;
	s6 =	sadd.s32 @!p0 s3, s7;
	s7 =	simm.s32 @!p0 $0x108  }
0x21: {  	s3 =	sadd.s32 s3, s9;
	s6 =	sadd.s32 @!p0 $0x88, s6;
	s7 =	simm.s32 @p2 $0x1082  }
0x22: {  	[simem:s7], [sflag:s8] =	dma.local @!p0 [hbm:s6], $0xF7A  }
0x23: {  	s9 =	sor.u32 $0xD0000000, s2;
	s6 =	simm.s32 $0x108;
	_ =	swait.ge @!p0 [sflag:s8], $0x0  }
0x24: {  	s3 =	sadd.s32 $0x88, s3;
	s6 =	simm.s32 @!p1 $0x1082;
	[sflag:s4] =	ssyncset.s32 $0xFFFFF086  }
0x25: {  	[simem:s6], [sflag:s4] =	dma.local [hbm:s3], $0xF7A  }
0x26: {  	[smem:$0x3F9F] =	sst s1;
	(tag) =	ssettag s2;
	_ =	strace s9  }
0x27: {  	s1 =	sld [smem:$0x3FAF]  }
0x28: {  	s2 =	sld [smem:$0x3FB0]  }
0x29: {  	s4 =	sld [smem:$0x3FB2]  }
0x2a: {  	p0 =	seq.s32 s5, $0x0;
	s5 =	sld [smem:$0x3FB3]  }
0x2b: {  	s6 =	sld [smem:$0x3FB4]  }
0x2c: {  	s7 =	sld [smem:$0x3FB5]  }
0x2d: {  	s3 =	simm.s32 $0x108;
	s8 =	sld [smem:$0x3FB6]  }
0x2e: {  	s3 =	simm.s32 @!p0 $0x1082;
	s9 =	sld [smem:$0x3FB7]  }
0x2f: {  	lr =	sadd.s32 s0, s3;
	s0 =	sld [smem:$0x3FAE]  }
0x30: {  	s3 =	sld [smem:$0x3FB1]  }
0x31: {  	[smem:$0x3FBA] =	sst s10  }
0x32: {  	s10 =	sld [smem:$0x3FB8];
	_ =	sdelay $0x3  }
0x33: {  	p0 =	seq.s32 s10, $0x1;
	s10 =	sld [smem:$0x3FBA];
	_ =	sdelay $0x3  }
0x34: {  	[smem:$0x3FBA] =	sst s10  }
0x35: {  	s10 =	sld [smem:$0x3FB9];
	_ =	sdelay $0x3  }
0x36: {  	p1 =	seq.s32 s10, $0x1;
	s10 =	sld [smem:$0x3FBA];
	_ =	sdelay $0x3  }
0x37: {  	[smem:$0x3FBA] =	sst s10  }
0x38: {  	s10 =	sld [smem:$0x3FBB]  }
0x39: {  	_ = 	snop;
	(pc) =	sbr.ind lr, $3  }
0x3a: {  	_ = 	snop  }
0x3b: {  	_ = 	snop  }
0x3c: {  	p2 =	seq.s32 s10, $0x1;
	s10 =	sld [smem:$0x3FBA]  }
0x3d: {  	_ =	shalt  }
0x3e: {  	_ =	shalt  }
0x3f: {  	_ =	shalt  }
0x40: {  	_ =	shalt  }
0x41: {  	_ =	shalt  }
0x42: {  	_ =	shalt  }
0x43: {  	_ =	shalt  }
0x44: {  	_ =	shalt  }
0x45: {  	_ =	shalt  }
0x46: {  	_ =	shalt  }
0x47: {  	_ =	shalt  }
0x48: {  	_ =	shalt  }
0x49: {  	_ =	shalt  }
0x4a: {  	_ =	shalt  }
0x4b: {  	_ =	shalt  }
0x4c: {  	_ =	shalt  }
0x4d: {  	_ =	shalt  }
0x4e: {  	_ =	shalt  }
0x4f: {  	_ =	shalt  }
0x50: {  	_ =	shalt  }
0x51: {  	_ =	shalt  }
0x52: {  	_ =	shalt  }
0x53: {  	_ =	shalt  }
0x54: {  	_ =	shalt  }
0x55: {  	_ =	shalt  }
0x56: {  	_ =	shalt  }
0x57: {  	_ =	shalt  }
0x58: {  	_ =	shalt  }
0x59: {  	_ =	shalt  }
0x5a: {  	_ =	shalt  }
0x5b: {  	_ =	shalt  }
0x5c: {  	_ =	shalt  }
0x5d: {  	_ =	shalt  }
0x5e: {  	_ =	shalt  }
0x5f: {  	_ =	shalt  }
0x60: {  	_ =	shalt  }
0x61: {  	_ =	shalt  }
0x62: {  	_ =	shalt  }
0x63: {  	_ =	shalt  }
0x64: {  	_ =	shalt  }
0x65: {  	_ =	shalt  }
0x66: {  	_ =	shalt  }
0x67: {  	_ =	shalt  }
0x68: {  	_ =	shalt  }
0x69: {  	_ =	shalt  }
0x6a: {  	_ =	shalt  }
0x6b: {  	_ =	shalt  }
0x6c: {  	_ =	shalt  }
0x6d: {  	_ =	shalt  }
0x6e: {  	_ =	shalt  }
0x6f: {  	_ =	shalt  }
0x70: {  	_ =	shalt  }
0x71: {  	_ =	shalt  }
0x72: {  	_ =	shalt  }
0x73: {  	_ =	shalt  }
0x74: {  	_ =	shalt  }
0x75: {  	_ =	shalt  }
0x76: {  	_ =	shalt  }
0x77: {  	_ =	shalt  }
0x78: {  	_ =	shalt  }
0x79: {  	_ =	shalt  }
0x7a: {  	_ =	shalt  }
0x7b: {  	_ =	shalt  }
0x7c: {  	_ =	shalt  }
0x7d: {  	_ =	shalt  }
0x7e: {  	_ =	shalt  }
0x7f: {  	_ =	shalt  }
0x80: {  	_ =	shalt  }
0x81: {  	_ =	shalt  }
0x82: {  	_ =	shalt  }
0x83: {  	_ =	shalt  }
0x84: {  	_ =	shalt  }
0x85: {  	_ =	shalt  }
0x86: {  	_ =	shalt  }
0x87: {  	_ =	shalt  }
.Lfunc_end0:
.L_simem_size_0:
called_computation_lowered:
.L_overlay_start_0:
0x88: {  	s2 =	sld [smem:$0x3FD9]  }
0x89: {  	s3 =	sld [smem:$0x3FFE];
	_ =	sdelay $0x1  }
0x8a: {  	s1 =	srdreg.scid  }
0x8b: {  	s0 =	sand.u32 $0x1, s1  }
0x8c: {  	s16 =	sshll.u32 s0, $0xA;
	s2 =	sadd.s32 s3, s2  }
0x8d: {  	s2 =	sadd.s32 s2, s16  }
0x8e: {  	[smem:$0x3FC6] =	sst s2  }
0x8f: {  	_ = 	snop  }
0x90: {  	(tm) =	ssettm $0x1  }
0x91: {  	s17 =	sld [smem:$0x3FFB];
	_ =	sdelay $0x3  }
0x92: {  	_ =	strace s17  }
0x93: {  	s2 =	sld [smem:$0x3FFC];
	_ =	sdelay $0x3  }
0x94: {  	_ =	strace s2  }
0x95: {  	s2 =	sld [smem:$0x3FFD];
	_ =	sdelay $0x3  }
0x96: {  	_ =	strace s2  }
0x97: {  	_ =	strace $0x8FFFFFFF  }
0x98: {  	s18 =	sld [smem:$0x3FDB];
	_ =	sdelay $0x1  }
0x99: {  	s19 =	simm.s32 $_scs_section_size  }
0x9a: {  	s4 =	simm.s32 $_size__tile_overlayer_lowered;
	s5 =	simm.s32 $_tile_overlayer_lowered  }
0x9b: {  	s22 =	simm.s32 $0x1BFF;
	s21 =	sshll.u32 s5, $0x1;
	s2 =	sadd.s32 s19, s18  }
0x9c: {  	s6 =	simm.s32 $0x0;
	s20 =	sshll.u32 s4, $0x1;
	s4 =	sadd.s32 s21, s2  }
0x9d: {  	[timem:s6], [sflag:s22] =	dma.local [hbm:s4], s20  }
0x9e: {  	_ =	swait.ge [sflag:s22], s20  }
0x9f: {  	s3 =	ssub.s32 $0x0, s20;
	[sflag:s22] =	ssyncset.done $0x0  }
0xa0: {  	[sflag:s22] =	ssyncadd.s32 s3;
	_ =	sdelay $0x1  }
0xa1: {  	s23 =	simm.s32 $0x1B8B  }
0xa2: {  	_ =	swait.ge [sflag:s23], $0x1  }
0xa3: {  	[sflag:s23] =	ssyncset.done $0x0  }
0xa4: {  	s25 =	simm.s32 $0x1B8E;
	s24 =	sld [smem:$0x3FFE];
	[sflag:s23] =	ssyncadd.s32 $0xFFFFFFFF  }
0xa5: {  	s26 =	simm.s32 $execute0_lowered;
	[smem:$0x3FD2] =	sst s25  }
0xa6: {  	s4 =	sshll.u32 s26, $0x1;
	_ =	strace $0x80000046;
	[dreg:$0x1] =	wrdreg $0xFFFFFFFF  }
0xa7: {  	s28 =	simm.s32 $_size_execute0_lowered;
	s2 =	sadd.s32 s2, s4;
	[dreg:$0x0] =	wrdreg $0x0  }
0xa8: {  	s4 =	sshll.u32 s28, $0x1;
	[dreg:$0x2] =	wrdreg s2  }
0xa9: {  	[dreg:$0x3] =	wrdreg s4  }
0xaa: {  	[dreg:$0x4] =	wrdreg $0xC0  }
0xab: {  	_ =	task [dreg:s6], $0x5FFFF  }
0xac: {  	[dreg:$0x1] =	wrdreg $0xFFFFFFFF  }
0xad: {  	[dreg:$0x0] =	wrdreg $0x60  }
0xae: {  	[dreg:$0x2] =	wrdreg s24  }
0xaf: {  	[dreg:$0x3] =	wrdreg $0x9  }
0xb0: {  	_ =	task.clear_ibuf [dreg:s6], $0x4FFFF;
	_ =	strace $0x90000046  }
0xb1: {  	s29 =	simm.s32 $0x9;
	_ =	strace $0x80000048  }
0xb2: {  	_ =	swait.ge [sflag:s29], $0x1  }
0xb3: {  	[sflag:s29] =	ssyncadd.s32 $0xFFFFFFFF  }
0xb4: {  	_ =	strace $0x90000048  }
0xb5: {  	_ =	sfence  }
0xb6: {  	s30 =	sld [smem:$0x0];
	_ =	sdelay $0x2  }
0xb7: {  	s31 =	sshll.u32 s1, $0xD;
	s1 =	sshrl.u32 s1, $0x2  }
0xb8: {  	s3 =	sand.u32 $0x4000, s31;
	s1 =	sadd.s32 s1, s30  }
0xb9: {  	s0 =	sor.u32 s3, s0;
	s1 =	sshll.u32 s1, $0x11  }
0xba: {  	s0 =	sor.u32 s1, s0  }
0xbb: {  	s0 =	sadd.s32 $0x8F2B, s0  }
0xbc: {  	[sflag:s0] =	ssyncadd.remote.s32 $0x1  }
0xbd: {  	_ =	sfence.sel $0xFFFF  }
0xbe: {  	[dreg:$0x0] =	wrdreg $0xFFFFFFFF;
	(pc) =	sbr.abs _section_cstart, $3  }
0xbf: {  	[dreg:$0x1] =	wrdreg $0xFFFFFFFF  }
0xc0: {  	_ =	task.clear_ibuf [dreg:s6], $0x2FFFF;
	_ =	strace $0x9FFFFFFF  }
0xc1: {  	(tm) =	ssettm $0x7FFFFFFF  }
tec
execute0_lowered:
.L_overlay_start_1:
0x0: {  	(tag) =	ssettag $0x1  }
0x1: {  	s1 =	srdreg.scid;
	s0 =	stileid.u32  }
0x2: {  	s14 =	sand.u32 $0x1, s1;
	s30 =	sshll.u32 s0, $0x1  }
0x3: {  	s16 =	sor.u32 s14, s30  }
0x4: {  	s15 =	rddreg [dreg:$0x0];
	s2 =	simm.s32 $0x0;
	s3 =	sshll.u32 s16, $0xE  }
0x5: {  	[smem:$0x7FF] =	sst s2;
	s13 =	sadd.s32 s3, s15  }
0x6: {  	s1 =	rddreg [dreg:$0x1];
	_ =	strace $0x80000047;
	s3 =	sadd.s32 $0x2200, s13  }
0x7: {  	[tilespmem:s2], [sflag:$0x1] =	stream.linear.gather [hbm4b:s3+s2], $0x4000, $0x38;
	[tilespmem:$0x9000] =	vst v63  }
0x8: {  	s5 =	simm.s32 $0x4000;
	s6 =	simm.s32 $0x1;
	s4 =	sadd.s32 $0x2A00, s13  }
0x9: {  	[tilespmem:s5], [sflag:$0x2] =	stream.linear.gather [hbm4b:s4+s2], $0x4000, $0x38;
	[tilespmem:$0x9000] =	vst v63  }
0xa: {  	_ =	swait.ge [sflag:s6], $0x4000  }
0xb: {  	[sflag:s6] =	ssyncset.done $0x0  }
0xc: {  	s8 =	simm.s32 $0x2;
	s7 =	sadd.s32 $0x3200, s13;
	[sflag:s6] =	ssyncadd.s32 $0xFFFFC000  }
0xd: {  	[tilespmem:s2], [sflag:$0x1] =	stream.linear.gather [hbm4b:s7+s2], $0x4000, $0x38;
	[tilespmem:$0x9000] =	vst v63  }
0xe: {  	_ =	swait.ge [sflag:s8], $0x4000  }
0xf: {  	[sflag:s8] =	ssyncset.done $0x0  }
0x10: {  	s9 =	sadd.s32 $0x3A00, s13;
	[sflag:s8] =	ssyncadd.s32 $0xFFFFC000  }
0x11: {  	[tilespmem:s5], [sflag:$0x2] =	stream.linear.gather [hbm4b:s9+s2], $0x4000, $0x38;
	[tilespmem:$0x9000] =	vst v63  }
0x12: {  	_ =	swait.ge [sflag:s6], $0x4000  }
0x13: {  	[sflag:s6] =	ssyncset.done $0x0  }
0x14: {  	s10 =	sadd.s32 $0x4200, s13;
	[sflag:s6] =	ssyncadd.s32 $0xFFFFC000  }
0x15: {  	[tilespmem:s2], [sflag:$0x1] =	stream.linear.gather [hbm4b:s10+s2], $0x4000, $0x38;
	[tilespmem:$0x9000] =	vst v63  }
0x16: {  	_ =	swait.ge [sflag:s8], $0x4000  }
0x17: {  	[sflag:s8] =	ssyncset.done $0x0  }
0x18: {  	s11 =	sadd.s32 $0x4A00, s13;
	[sflag:s8] =	ssyncadd.s32 $0xFFFFC000  }
0x19: {  	[tilespmem:s5], [sflag:$0x2] =	stream.linear.gather [hbm4b:s11+s2], $0x4000, $0x38;
	[tilespmem:$0x9000] =	vst v63  }
0x1a: {  	_ =	swait.ge [sflag:s6], $0x4000  }
0x1b: {  	[sflag:s6] =	ssyncset.done $0x0  }
0x1c: {  	s12 =	sadd.s32 $0x5200, s13;
	[sflag:s6] =	ssyncadd.s32 $0xFFFFC000  }
0x1d: {  	[tilespmem:s2], [sflag:$0x1] =	stream.linear.gather [hbm4b:s12+s2], $0x4000, $0x38;
	[tilespmem:$0x9000] =	vst v63  }
0x1e: {  	_ =	swait.ge [sflag:s8], $0x4000  }
0x1f: {  	[sflag:s8] =	ssyncset.done $0x0  }
0x20: {  	s14 =	ssub.s32 $0x2, s14;
	s13 =	sadd.s32 $0x5A00, s13;
	[sflag:s8] =	ssyncadd.s32 $0xFFFFC000  }
0x21: {  	[tilespmem:s5], [sflag:$0x2] =	stream.linear.gather [hbm4b:s13+s2], $0x4000, $0x38;
	[tilespmem:$0x9000] =	vst v63  }
0x22: {  	s17 =	sshrl.u32 s14, $0x1;
	_ =	swait.ge [sflag:s6], $0x4000  }
0x23: {  	s31 =	ssub.s32 s14, s17;
	[sflag:s6] =	ssyncset.done $0x0  }
0x24: {  	s16 =	sshll.u32 s16, $0x9;
	s17 =	smax.u32 s31, $0x1;
	[sflag:s6] =	ssyncadd.s32 $0xFFFFC000  }
0x25: {  	s15 =	sadd.s32 s16, s15;
	p0 =	sne.s32 s17, $0x1;
	_ =	swait.ge [sflag:s8], $0x4000  }
.Ltmp0:
0x26: {  	s16 =	simm.s32 $0x8000;
	[sflag:s8] =	ssyncset.done $0x0;
	(pc) =	sbr.rel @!p0 .LBB2_2-.Ltmp0, $4  }
0x27: {  	s14 =	sadd.s32 $0x82200, s15;
	s15 =	simm.s32 $0x3;
	[sflag:s8] =	ssyncadd.s32 $0xFFFFC000  }
0x28: {  	[hbm4b:s14+s2] =	stream.linear.scatter [tilespmem:s16], [sflag:$0x3], $0x1000, $0x38;
	[tilespmem:$0x9000] =	vst v63  }
0x29: {  	_ =	swait.ge [sflag:s15], $0x1000  }
0x2a: {  	s17 =	sadd.s32 $0xFFFFFFFF, s17;
	[sflag:s15] =	ssyncset.done $0x0  }
.LBB2_1:
0x2b: {  	p0 =	sne.s32 s17, $0x1;
	s17 =	sadd.s32 $0xFFFFFFFF, s17;
	[sflag:s15] =	ssyncadd.s32 $0xFFFFF000  }
0x2c: {  	[tilespmem:s2], [sflag:$0x1] =	stream.linear.gather [hbm4b:s3+s2], $0x4000, $0x38;
	[tilespmem:$0x9000] =	vst v63  }
0x2d: {  	_ = 	snop  }
0x2e: {  	[tilespmem:s5], [sflag:$0x2] =	stream.linear.gather [hbm4b:s4+s2], $0x4000, $0x38;
	[tilespmem:$0x9000] =	vst v63  }
0x2f: {  	_ =	swait.ge [sflag:s6], $0x4000  }
0x30: {  	[sflag:s6] =	ssyncset.done $0x0  }
0x31: {  	[sflag:s6] =	ssyncadd.s32 $0xFFFFC000  }
0x32: {  	[tilespmem:s2], [sflag:$0x1] =	stream.linear.gather [hbm4b:s7+s2], $0x4000, $0x38;
	[tilespmem:$0x9000] =	vst v63  }
0x33: {  	_ =	swait.ge [sflag:s8], $0x4000  }
0x34: {  	[sflag:s8] =	ssyncset.done $0x0  }
0x35: {  	[sflag:s8] =	ssyncadd.s32 $0xFFFFC000  }
0x36: {  	[tilespmem:s5], [sflag:$0x2] =	stream.linear.gather [hbm4b:s9+s2], $0x4000, $0x38;
	[tilespmem:$0x9000] =	vst v63  }
0x37: {  	_ =	swait.ge [sflag:s6], $0x4000  }
0x38: {  	[sflag:s6] =	ssyncset.done $0x0  }
0x39: {  	[sflag:s6] =	ssyncadd.s32 $0xFFFFC000  }
0x3a: {  	[tilespmem:s2], [sflag:$0x1] =	stream.linear.gather [hbm4b:s10+s2], $0x4000, $0x38;
	[tilespmem:$0x9000] =	vst v63  }
0x3b: {  	_ =	swait.ge [sflag:s8], $0x4000  }
0x3c: {  	[sflag:s8] =	ssyncset.done $0x0  }
0x3d: {  	[sflag:s8] =	ssyncadd.s32 $0xFFFFC000  }
0x3e: {  	[tilespmem:s5], [sflag:$0x2] =	stream.linear.gather [hbm4b:s11+s2], $0x4000, $0x38;
	[tilespmem:$0x9000] =	vst v63  }
0x3f: {  	_ =	swait.ge [sflag:s6], $0x4000  }
0x40: {  	[sflag:s6] =	ssyncset.done $0x0  }
0x41: {  	[sflag:s6] =	ssyncadd.s32 $0xFFFFC000  }
0x42: {  	[tilespmem:s2], [sflag:$0x1] =	stream.linear.gather [hbm4b:s12+s2], $0x4000, $0x38;
	[tilespmem:$0x9000] =	vst v63  }
0x43: {  	_ =	swait.ge [sflag:s8], $0x4000  }
0x44: {  	[sflag:s8] =	ssyncset.done $0x0  }
0x45: {  	[sflag:s8] =	ssyncadd.s32 $0xFFFFC000  }
0x46: {  	[tilespmem:s5], [sflag:$0x2] =	stream.linear.gather [hbm4b:s13+s2], $0x4000, $0x38;
	[tilespmem:$0x9000] =	vst v63  }
0x47: {  	_ =	swait.ge [sflag:s6], $0x4000  }
0x48: {  	[sflag:s6] =	ssyncset.done $0x0  }
0x49: {  	[sflag:s6] =	ssyncadd.s32 $0xFFFFC000  }
0x4a: {  	_ =	swait.ge [sflag:s8], $0x4000  }
.Ltmp1:
0x4b: {  	[sflag:s8] =	ssyncset.done $0x0;
	(pc) =	sbr.rel @p0 .LBB2_1-.Ltmp1, $4  }
0x4c: {  	[sflag:s8] =	ssyncadd.s32 $0xFFFFC000  }
0x4d: {  	[hbm4b:s14+s2] =	stream.linear.scatter [tilespmem:s16], [sflag:$0x3], $0x1000, $0x38;
	[tilespmem:$0x9000] =	vst v63  }
0x4e: {  	_ =	swait.ge [sflag:s15], $0x1000  }
0x4f: {  	[sflag:s15] =	ssyncset.done $0x0  }
.LBB2_2:
0x50: {  	[sflag:s15] =	ssyncadd.s32 $0xFFFFF000  }
0x51: {  	_ =	sfence.sel $0x180000  }
0x52: {  	[bflag:$0x0] =	sbarrier.arrive $0xFFFF  }
0x53: {  	p0 =	sne.s32 s0, $0x0;
	_ =	strace $0x90000047  }
0x54: {  	s0 =	sadd.s32 @!p0 $0x100000, s1;
	[bflag:$0x2] =	sbarrier.arrive $0xFFFF  }
0x55: {  	[sflag:s0] =	ssyncadd.tile.s32 @!p0 $0x1;
	_ =	shalt  }
.Lfunc_end2:
_tile_overlayer_lowered:
.L_overlay_start_2:
0x56: {  	(tag) =	ssettag $0x2  }
0x57: {  	s0 =	rddreg [dreg:$0x0];
	s2 =	stileid.u32  }
0x58: {  	s1 =	rddreg [dreg:$0x1];
	p0 =	sne.s32 s2, $0x0  }
0x59: {  	s3 =	rddreg [dreg:$0x2];
	[bflag:$0x3] =	sbarrier.arrive $0xFFFF;
	s2 =	simm.s32 @!p0 $0x1C03  }
0x5a: {  	[timem:s3], [sflag:s2] =	dma.local @!p0 [hbm:s0], s1  }
0x5b: {  	s0 =	simm.s32 @!p0 $0x3  }
0x5c: {  	_ =	swait.ge @!p0 [sflag:s0], s1  }
0x5d: {  	s1 =	ssub.s32 @!p0 $0x0, s1;
	[sflag:s0] =	ssyncset.done @!p0 $0x0  }
0x5e: {  	[sflag:s0] =	ssyncadd.s32 @!p0 s1  }
0x5f: {  	[bflag:$0x3] =	sbarrier.arrive $0xFFFF  }
0x60: {  	_ =	shalt  }

</sc_bundles>
